<compile_context>
chip_gen: v7x
topology: tpu7x:2x2x1
jax: 0.10.2.dev20260603
libtpu: 0.0.44.dev20260713+nightly
codegen_flags: <defaults>
</compile_context>

<pallas_src>
import functools

import jax
import jax.numpy as jnp
from jax import lax
from jax.experimental import pallas as pl
from jax.experimental.pallas import tpu as pltpu
from jax.experimental.pallas import tpu_sc as plsc

B, N, S, D, K = 8, 4096, 1024, 128, 24
CDIM = D + 3
SB1 = 128
SB3 = 128
NW = 32
ROWS = B * S * K
PER_W = ROWS // NW
CH = 512
N_CHUNK = PER_W // CH


def _topk_body(nq_ref, xyzT_ref, xyzP_ref, feat_ref,
               gidx_ref, gx_ref, sumk_ref, sumkx_ref, std_ref):
    b = pl.program_id(0)
    s = pl.program_id(1)
    nq = nq_ref[0]
    xyzT = xyzT_ref[0]
    xyzP = xyzP_ref[0]
    sq_p = jnp.sum(xyzT * xyzT, axis=0, keepdims=True)
    sq_q = jnp.sum(nq * nq, axis=1, keepdims=True)
    qdot = jnp.dot(nq, xyzT, preferred_element_type=jnp.float32)
    dist = sq_q + sq_p - 2.0 * qdot
    iota_n = lax.broadcasted_iota(jnp.int32, (SB1, N), 1)
    xyzPb = xyzP.astype(jnp.bfloat16)
    sx = jnp.zeros((SB1, 8), jnp.float32)
    sxq = jnp.zeros((SB1, 8), jnp.float32)
    cols = []
    for k in range(K):
        m = jnp.min(dist, axis=1, keepdims=True)
        idx = jnp.min(jnp.where(dist == m, iota_n, N), axis=1, keepdims=True)
        cols.append(idx)
        onehot = iota_n == idx
        dist = jnp.where(onehot, jnp.float32(jnp.inf), dist)
        gxk = jnp.dot(onehot.astype(jnp.bfloat16), xyzPb,
                      preferred_element_type=jnp.float32)
        gx_ref[0, :, k, :] = gxk
        sx = sx + gxk
        sxq = sxq + gxk * gxk
    gidx_ref[0] = jnp.concatenate(cols, axis=1) + b * N

    ohs = (dist == jnp.float32(jnp.inf)).astype(jnp.float32)
    feat = feat_ref[0]
    s1 = jnp.dot(ohs, feat, preferred_element_type=jnp.float32)
    ssq = jnp.dot(ohs, feat * feat, preferred_element_type=jnp.float32)
    sumk_ref[0] = s1
    sumkx_ref[0] = sx
    part = (jnp.sum(ssq - s1 * s1 * (1.0 / K))
            + jnp.sum(sxq - sx * sx * (1.0 / K)))

    @pl.when(s == 0)
    def _init():
        std_ref[0, b] = jnp.float32(0.0)

    std_ref[0, b] += part

    @pl.when(s == (S // SB1) - 1)
    def _fin():
        cnt = jnp.float32(S * K * CDIM - 1)
        std_ref[0, b] = jnp.sqrt(std_ref[0, b] / cnt)


def _topk(new_xyz_pad, xyzT_pad, xyz_pad, features):
    return pl.pallas_call(
        _topk_body,
        grid=(B, S // SB1),
        in_specs=[
            pl.BlockSpec((1, SB1, 8), lambda b, s: (b, s, 0)),
            pl.BlockSpec((1, 8, N), lambda b, s: (b, 0, 0)),
            pl.BlockSpec((1, N, 8), lambda b, s: (b, 0, 0)),
            pl.BlockSpec((1, N, D), lambda b, s: (b, 0, 0)),
        ],
        out_specs=[
            pl.BlockSpec((1, SB1, K), lambda b, s: (b, s, 0)),
            pl.BlockSpec((1, SB1, K, 8), lambda b, s: (b, s, 0, 0)),
            pl.BlockSpec((1, SB1, D), lambda b, s: (b, s, 0)),
            pl.BlockSpec((1, SB1, 8), lambda b, s: (b, s, 0)),
            pl.BlockSpec((1, B), lambda b, s: (0, 0),
                         memory_space=pltpu.SMEM),
        ],
        out_shape=[
            jax.ShapeDtypeStruct((B, S, K), jnp.int32),
            jax.ShapeDtypeStruct((B, S, K, 8), jnp.float32),
            jax.ShapeDtypeStruct((B, S, D), jnp.float32),
            jax.ShapeDtypeStruct((B, S, 8), jnp.float32),
            jax.ShapeDtypeStruct((1, B), jnp.float32),
        ],
    )(new_xyz_pad, xyzT_pad, xyz_pad, features)


def _sc_gather_body(table_hbm, idx_hbm, out_hbm, idx_v, rows_v, sem):
    wid = lax.axis_index("s") * 2 + lax.axis_index("c")
    base = wid * PER_W

    def chunk(i, carry):
        off = base + i * CH
        pltpu.sync_copy(idx_hbm.at[pl.ds(off, CH)], idx_v)
        pltpu.async_copy(table_hbm.at[idx_v], rows_v, sem).wait()
        pltpu.sync_copy(rows_v, out_hbm.at[pl.ds(off, CH)])
        return carry

    lax.fori_loop(0, N_CHUNK, chunk, 0)


def _sc_gather(table, idx_flat):
    mesh = plsc.VectorSubcoreMesh(core_axis_name="c", subcore_axis_name="s")
    kfn = functools.partial(
        pl.kernel,
        out_type=jax.ShapeDtypeStruct((ROWS, D), jnp.float32),
        mesh=mesh,
        scratch_types=[
            pltpu.VMEM((CH,), jnp.int32),
            pltpu.VMEM((CH, D), jnp.float32),
            pltpu.SemaphoreType.DMA,
        ],
    )(_sc_gather_body)
    return kfn(table, idx_flat)


def _assemble_body(g_ref, gx_ref, sumk_ref, sumkx_ref, std_ref, nf_ref, ab_ref,
                   out_ref):
    inv = 1.0 / (std_ref[0, pl.program_id(0)] + 1e-5)
    alpha = ab_ref[0:1, :D][None]
    beta = ab_ref[8:9, :D][None]
    alphax = ab_ref[0:1, D:][None]
    betax = ab_ref[8:9, D:][None]
    scale = inv * alpha
    off = beta - sumk_ref[0][:, None, :] * (scale / K)
    scalex = inv * alphax
    offx = betax - sumkx_ref[0][:, None, :] * (scalex / K)
    v = g_ref[0] * scale + off
    vx = gx_ref[0] * scalex + offx
    vx3 = jnp.pad(vx[:, :, :3], ((0, 0), (0, 0), (0, D)))
    nfp = jnp.pad(nf_ref[0][:, None, :], ((0, 0), (0, 0), (CDIM, 0)))
    nfb = jnp.broadcast_to(nfp, (SB3, K, 2 * D + 3))
    out_ref[0] = jnp.concatenate([v, vx3], axis=2) + nfb


def _assemble(g, gx, sumk, sumkx, std, new_features, ab):
    return pl.pallas_call(
        _assemble_body,
        grid=(B, S // SB3),
        in_specs=[
            pl.BlockSpec((1, SB3, K, D), lambda b, s: (b, s, 0, 0)),
            pl.BlockSpec((1, SB3, K, 8), lambda b, s: (b, s, 0, 0)),
            pl.BlockSpec((1, SB3, D), lambda b, s: (b, s, 0)),
            pl.BlockSpec((1, SB3, 8), lambda b, s: (b, s, 0)),
            pl.BlockSpec((1, B), lambda b, s: (0, 0),
                         memory_space=pltpu.SMEM),
            pl.BlockSpec((1, SB3, D), lambda b, s: (b, s, 0)),
            pl.BlockSpec((16, D + 8), lambda b, s: (0, 0)),
        ],
        out_specs=pl.BlockSpec((1, SB3, K, 2 * D + 3), lambda b, s: (b, s, 0, 0)),
        out_shape=jax.ShapeDtypeStruct((B, S, K, 2 * D + 3), jnp.float32),
    )(g, gx, sumk, sumkx, std, new_features, ab)


def kernel(xyz, features, new_xyz, new_features, affine_alpha, affine_beta):
    f32 = jnp.float32
    xyz = xyz.astype(f32)
    features = features.astype(f32)
    xyz_pad = jnp.pad(xyz, ((0, 0), (0, 0), (0, 5)))
    xyzT_pad = jnp.swapaxes(xyz_pad, 1, 2)
    nq_pad = jnp.pad(new_xyz.astype(f32), ((0, 0), (0, 0), (0, 5)))
    gidx, gx, sumk, sumkx, std = _topk(nq_pad, xyzT_pad, xyz_pad, features)

    table = features.reshape(B * N, D)
    idx_flat = gidx.reshape(ROWS)
    g = _sc_gather(table, idx_flat).reshape(B, S, K, D)

    a131 = affine_alpha.astype(f32).reshape(1, CDIM)
    b131 = affine_beta.astype(f32).reshape(1, CDIM)
    ab = jnp.concatenate([
        jnp.broadcast_to(jnp.pad(a131, ((0, 0), (0, 5))), (8, D + 8)),
        jnp.broadcast_to(jnp.pad(b131, ((0, 0), (0, 5))), (8, D + 8)),
    ], axis=0)
    return _assemble(g, gx, sumk, sumkx, std, new_features.astype(f32), ab)

# --- scband reference (transcript-rebuilt; emitter-appended) ---
"""Pipeline reference for scband-local-grouper-10625749090927 (READ-ONLY COPY).

The authoritative reference and input builder live on the scoring server;
editing this copy changes nothing except your own understanding.
"""

import jax, jax.numpy as jnp
import numpy as np

B, N, S, D, K = 8, 4096, 1024, 128, 24

def setup_inputs(seed: int = 0) -> dict:
    key = jax.random.key(seed)
    k1, k2, k3, k4 = jax.random.split(key, 4)
    xyz = jax.random.normal(k1, (B, N, 3), dtype=jnp.float32)
    features = jax.random.normal(k2, (B, N, D), dtype=jnp.float32)
    new_xyz = jax.random.normal(k3, (B, S, 3), dtype=jnp.float32)
    new_features = jax.random.normal(k4, (B, S, D), dtype=jnp.float32)
    affine_alpha = jnp.ones((1, 1, 1, D + 3), dtype=jnp.float32)
    affine_beta = jnp.zeros((1, 1, 1, D + 3), dtype=jnp.float32)
    return {"xyz": xyz, "features": features, "new_xyz": new_xyz,
            "new_features": new_features, "affine_alpha": affine_alpha,
            "affine_beta": affine_beta}

def reference(xyz, features, new_xyz, new_features, affine_alpha, affine_beta):
    kneighbors = K
    # squared-distance knn: ||q - p||^2 = ||q||^2 + ||p||^2 - 2 q.p
    sq_q = jnp.sum(new_xyz ** 2, axis=-1, keepdims=True)          # [B,S,1]
    sq_p = jnp.sum(xyz ** 2, axis=-1)[:, None, :]                  # [B,1,N]
    dist = sq_q + sq_p - 2.0 * jnp.einsum('bsc,bnc->bsn', new_xyz, xyz)  # [B,S,N]
    neg_knn_dist, knn_idx = jax.lax.top_k(-dist, kneighbors)       # [B,S,K]
    # gather neighbor xyz and features
    grouped_xyz = jnp.take_along_axis(xyz[:, None, :, :], knn_idx[..., None], axis=2)       # [B,S,K,3]
    grouped_features = jnp.take_along_axis(features[:, None, :, :], knn_idx[..., None], axis=2)  # [B,S,K,D]
    grouped_features = jnp.concatenate([grouped_features, grouped_xyz], axis=-1)            # [B,S,K,D+3]
    # normalize == 'center'
    mean = jnp.mean(grouped_features, axis=2, keepdims=True)
    std = jnp.std(grouped_features - mean, axis=(1, 2, 3), keepdims=True, ddof=1)
    grouped_features = (grouped_features - mean) / (std + 1e-05)
    grouped_features = affine_alpha * grouped_features + affine_beta
    new_feat_exp = jnp.broadcast_to(new_features[:, :, None, :], (B, S, kneighbors, D))
    new_out = jnp.concatenate([grouped_features, new_feat_exp], axis=-1)  # [B,S,K,2D+3]
    return new_out

if __name__ == "__main__":
    import jax
    _d = setup_inputs()
    print(jax.jit(kernel)(*tuple(_d.values())))

</pallas_src>

<mosaic_0001>
#map = affine_map<(d0, d1) -> (0, 0)>
#map1 = affine_map<(d0, d1) -> (0)>
module attributes {stable_mosaic.version = 14 : i64} {
  func.func @_sc_gather_body(%arg0: i32, %arg1: i32, %arg2: memref<32768x128xf32, #tpu.memory_space<hbm>>, %arg3: memref<196608xi32, #tpu.memory_space<hbm>>, %arg4: memref<196608x128xf32, #tpu.memory_space<hbm>>, %arg5: memref<512xi32, #tpu.memory_space<vmem>>, %arg6: memref<512x128xf32, #tpu.memory_space<vmem>>, %arg7: memref<!tpu.dma_semaphore, #tpu.memory_space<semaphore_mem>>) attributes {dimension_semantics = [#tpu.dimension_semantics<core_parallel>, #tpu.dimension_semantics<subcore_parallel>], iteration_bounds = array<i64: 2, 16>, scalar_prefetch = 0 : i64, scratch_operands = 3 : i64, tpu.core_type = #tpu.core_type<sc_vector_subcore>, window_params = [{transform_indices = #map}, {transform_indices = #map1}, {transform_indices = #map}]} {
    %mul3A = arith.constant 2 : i32
    %mul3A_0 = arith.muli %arg1, %mul3A : i32
    %add3A = arith.addi %mul3A_0, %arg0 : i32
    %mul3A_1 = arith.constant 6144 : i32
    %mul3A_2 = arith.muli %add3A, %mul3A_1 : i32
    %scan3A = arith.constant 0 : i32
    %scan3A_3 = arith.constant 0 : i32
    %scan3A_4 = arith.constant 12 : i32
    %scan3A_5 = arith.addi %scan3A_3, %scan3A_4 : i32
    %scan3A_6 = arith.constant 1 : i32
    scf.for %scan3A_8 = %scan3A_3 to %scan3A_5 step %scan3A_6  : i32 {
      %mul3A_9 = arith.constant 512 : i32
      %mul3A_10 = arith.muli %scan3A_8, %mul3A_9 : i32
      %add3A_11 = arith.addi %mul3A_2, %mul3A_10 : i32
      "tpu.region"() ({
        %run_scoped3A = tpu.sem_alloc : memref<!tpu.dma_semaphore, #tpu.memory_space<semaphore_mem>>
        %dma_start3A_16 = tpu.memref_slice %arg3[%add3A_11] : memref<196608xi32, #tpu.memory_space<hbm>> -> memref<512xi32, #tpu.memory_space<hbm>>
        %dma_start3A_17 = tpu.memref_slice %arg3[%add3A_11] : memref<196608xi32, #tpu.memory_space<hbm>> -> memref<512xi32, #tpu.memory_space<hbm>>
        tpu.enqueue_dma source(%dma_start3A_17 : memref<512xi32, #tpu.memory_space<hbm>>) target(%arg5 : memref<512xi32, #tpu.memory_space<vmem>>) target_semaphore(%run_scoped3A : memref<!tpu.dma_semaphore, #tpu.memory_space<semaphore_mem>>)
        %dma_wait3A_18 = tpu.memref_slice %arg3[%add3A_11] : memref<196608xi32, #tpu.memory_space<hbm>> -> memref<512xi32, #tpu.memory_space<hbm>>
        %dma_wait3A_19 = tpu.memref_slice %arg3[%add3A_11] : memref<196608xi32, #tpu.memory_space<hbm>> -> memref<512xi32, #tpu.memory_space<hbm>>
        tpu.wait_dma2 semaphore(%run_scoped3A : memref<!tpu.dma_semaphore, #tpu.memory_space<semaphore_mem>>) src(%dma_wait3A_19 : memref<512xi32, #tpu.memory_space<hbm>>) dst(%arg5 : memref<512xi32, #tpu.memory_space<vmem>>)
        tpu.yield
      }) : () -> ()
      %dma_start3A = arith.constant 0 : i32
      %dma_start3A_12 = arith.constant 0 : i32
      %dma_start3A_13 = tpu.memref_slice %arg2[%dma_start3A, %dma_start3A_12] : memref<32768x128xf32, #tpu.memory_space<hbm>> -> memref<32768x128xf32, #tpu.memory_space<hbm>>
      tpu.enqueue_indirect_dma source(%dma_start3A_13 : memref<32768x128xf32, #tpu.memory_space<hbm>>) target(%arg6 : memref<512x128xf32, #tpu.memory_space<vmem>>) offsets(%arg5 : memref<512xi32, #tpu.memory_space<vmem>>) semaphore(%arg7 : memref<!tpu.dma_semaphore, #tpu.memory_space<semaphore_mem>>)
      %dma_wait3A = arith.constant 0 : i32
      %dma_wait3A_14 = arith.constant 0 : i32
      %dma_wait3A_15 = tpu.memref_slice %arg2[%dma_wait3A, %dma_wait3A_14] : memref<32768x128xf32, #tpu.memory_space<hbm>> -> memref<32768x128xf32, #tpu.memory_space<hbm>>
      tpu.wait_indirect_dma semaphore(%arg7 : memref<!tpu.dma_semaphore, #tpu.memory_space<semaphore_mem>>) src(%dma_wait3A_15 : memref<32768x128xf32, #tpu.memory_space<hbm>>) dst(%arg6 : memref<512x128xf32, #tpu.memory_space<vmem>>)
      "tpu.region"() ({
        %run_scoped3A = tpu.sem_alloc : memref<!tpu.dma_semaphore, #tpu.memory_space<semaphore_mem>>
        %dma_start3A_16 = arith.constant 0 : i32
        %dma_start3A_17 = tpu.memref_slice %arg4[%add3A_11, %dma_start3A_16] : memref<196608x128xf32, #tpu.memory_space<hbm>> -> memref<512x128xf32, #tpu.memory_space<hbm>>
        %dma_start3A_18 = arith.constant 0 : i32
        %dma_start3A_19 = tpu.memref_slice %arg4[%add3A_11, %dma_start3A_18] : memref<196608x128xf32, #tpu.memory_space<hbm>> -> memref<512x128xf32, #tpu.memory_space<hbm>>
        tpu.enqueue_dma source(%arg6 : memref<512x128xf32, #tpu.memory_space<vmem>>) target(%dma_start3A_19 : memref<512x128xf32, #tpu.memory_space<hbm>>) target_semaphore(%run_scoped3A : memref<!tpu.dma_semaphore, #tpu.memory_space<semaphore_mem>>)
        %dma_wait3A_20 = arith.constant 0 : i32
        %dma_wait3A_21 = tpu.memref_slice %arg4[%add3A_11, %dma_wait3A_20] : memref<196608x128xf32, #tpu.memory_space<hbm>> -> memref<512x128xf32, #tpu.memory_space<hbm>>
        %dma_wait3A_22 = arith.constant 0 : i32
        %dma_wait3A_23 = tpu.memref_slice %arg4[%add3A_11, %dma_wait3A_22] : memref<196608x128xf32, #tpu.memory_space<hbm>> -> memref<512x128xf32, #tpu.memory_space<hbm>>
        tpu.wait_dma2 semaphore(%run_scoped3A : memref<!tpu.dma_semaphore, #tpu.memory_space<semaphore_mem>>) src(%arg6 : memref<512x128xf32, #tpu.memory_space<vmem>>) dst(%dma_wait3A_23 : memref<512x128xf32, #tpu.memory_space<hbm>>)
        tpu.yield
      }) : () -> ()
    }
    %scan3A_7 = arith.constant 12 : i32
    return
  }
}

module attributes {stable_mosaic.version = 14 : i64} {
  func.func @_topk_body(%arg0: i32, %arg1: i32, %arg2: memref<1x128x8xf32, #tpu.memory_space<vmem>>, %arg3: memref<1x8x4096xf32, #tpu.memory_space<vmem>>, %arg4: memref<1x4096x8xf32, #tpu.memory_space<vmem>>, %arg5: memref<1x4096x128xf32, #tpu.memory_space<vmem>>, %arg6: memref<1x128x24xi32, #tpu.memory_space<vmem>>, %arg7: memref<1x128x24x8xf32, #tpu.memory_space<vmem>>, %arg8: memref<1x128x128xf32, #tpu.memory_space<vmem>>, %arg9: memref<1x128x8xf32, #tpu.memory_space<vmem>>, %arg10: memref<1x8xf32, #tpu.memory_space<smem>>) attributes {dimension_semantics = [#tpu.dimension_semantics<arbitrary>, #tpu.dimension_semantics<arbitrary>], iteration_bounds = array<i64: 8, 8>, scalar_prefetch = 0 : i64, scratch_operands = 0 : i64, tpu.core_type = #tpu.core_type<tc>, window_params = [{transform_indices = @transform_0, window_bounds = array<i64: 1, 128, 8>}, {transform_indices = @transform_1, window_bounds = array<i64: 1, 8, 4096>}, {transform_indices = @transform_2, window_bounds = array<i64: 1, 4096, 8>}, {transform_indices = @transform_3, window_bounds = array<i64: 1, 4096, 128>}, {transform_indices = @transform_4, window_bounds = array<i64: 1, 128, 24>}, {transform_indices = @transform_5, window_bounds = array<i64: 1, 128, 24, 8>}, {transform_indices = @transform_6, window_bounds = array<i64: 1, 128, 128>}, {transform_indices = @transform_7, window_bounds = array<i64: 1, 128, 8>}, {transform_indices = @transform_8, window_bounds = array<i64: 1, 8>}]} {
    %get3A = arith.constant 0 : index
    %get3A_0 = arith.constant 0 : index
    %get3A_1 = arith.constant 0 : index
    %get3A_2 = vector.load %arg2[%get3A, %get3A_0, %get3A_1] : memref<1x128x8xf32, #tpu.memory_space<vmem>>, vector<1x128x8xf32>
    %get3A_3 = vector.shape_cast %get3A_2 : vector<1x128x8xf32> to vector<128x8xf32>
    %get3A_4 = arith.constant 0 : index
    %get3A_5 = arith.constant 0 : index
    %get3A_6 = arith.constant 0 : index
    %get3A_7 = vector.load %arg3[%get3A_4, %get3A_5, %get3A_6] : memref<1x8x4096xf32, #tpu.memory_space<vmem>>, vector<1x8x4096xf32>
    %get3A_8 = vector.shape_cast %get3A_7 : vector<1x8x4096xf32> to vector<8x4096xf32>
    %get3A_9 = arith.constant 0 : index
    %get3A_10 = arith.constant 0 : index
    %get3A_11 = arith.constant 0 : index
    %get3A_12 = vector.load %arg4[%get3A_9, %get3A_10, %get3A_11] : memref<1x4096x8xf32, #tpu.memory_space<vmem>>, vector<1x4096x8xf32>
    %get3A_13 = vector.shape_cast %get3A_12 : vector<1x4096x8xf32> to vector<4096x8xf32>
    %mul3A = arith.mulf %get3A_8, %get3A_8 : vector<8x4096xf32>
    %reduce_sum3A = arith.constant dense<0.000000e+00> : vector<4096xf32>
    %reduce_sum3A_14 = vector.multi_reduction <add>, %mul3A, %reduce_sum3A [0] : vector<8x4096xf32> to vector<4096xf32>
    %broadcast_in_dim3A = vector.shape_cast %reduce_sum3A_14 : vector<4096xf32> to vector<1x4096xf32>
    %mul3A_15 = arith.mulf %get3A_3, %get3A_3 : vector<128x8xf32>
    %reduce_sum3A_16 = arith.constant dense<0.000000e+00> : vector<128xf32>
    %reduce_sum3A_17 = vector.multi_reduction <add>, %mul3A_15, %reduce_sum3A_16 [1] : vector<128x8xf32> to vector<128xf32>
    %broadcast_in_dim3A_18 = vector.shape_cast %reduce_sum3A_17 : vector<128xf32> to vector<128x1xf32>
    %dot_general3A = arith.constant dense<0.000000e+00> : vector<128x4096xf32>
    %dot_general3A_19 = tpu.matmul %get3A_3, %get3A_8, %dot_general3A {dimension_numbers = #tpu.dot_dimension_numbers<[1], [0], [0], [1], [0, 0, 1, 1], [], []>, transpose_lhs_hint = false} : vector<128x8xf32>, vector<8x4096xf32>, vector<128x4096xf32> -> vector<128x4096xf32>
    %add3A = vector.broadcast %broadcast_in_dim3A_18 : vector<128x1xf32> to vector<128x4096xf32>
    %add3A_20 = vector.broadcast %broadcast_in_dim3A : vector<1x4096xf32> to vector<128x4096xf32>
    %add3A_21 = arith.addf %add3A, %add3A_20 : vector<128x4096xf32>
    %mul3A_22 = arith.constant 2.000000e+00 : f32
    %mul3A_23 = vector.broadcast %mul3A_22 : f32 to vector<128x4096xf32>
    %mul3A_24 = arith.mulf %mul3A_23, %dot_general3A_19 : vector<128x4096xf32>
    %sub3A = arith.subf %add3A_21, %mul3A_24 : vector<128x4096xf32>
    %iota3A = tpu.iota {dimensions = array<i32: 1>} : vector<128x4096xi32>
    %convert_element_type3A = arith.truncf %get3A_13 : vector<4096x8xf32> to vector<4096x8xbf16>
    %broadcast_in_dim3A_25 = arith.constant 0.000000e+00 : f32
    %broadcast_in_dim3A_26 = vector.broadcast %broadcast_in_dim3A_25 : f32 to vector<128x8xf32>
    %broadcast_in_dim3A_27 = arith.constant 0.000000e+00 : f32
    %broadcast_in_dim3A_28 = vector.broadcast %broadcast_in_dim3A_27 : f32 to vector<128x8xf32>
    %reduce_min3A = arith.constant dense<0x7F800000> : vector<128xf32>
    %reduce_min3A_29 = vector.multi_reduction <minimumf>, %sub3A, %reduce_min3A [1] : vector<128x4096xf32> to vector<128xf32>
    %broadcast_in_dim3A_30 = vector.shape_cast %reduce_min3A_29 : vector<128xf32> to vector<128x1xf32>
    %eq3A = vector.broadcast %broadcast_in_dim3A_30 : vector<128x1xf32> to vector<128x4096xf32>
    %eq3A_31 = arith.cmpf oeq, %sub3A, %eq3A : vector<128x4096xf32>
    %jit3A = arith.constant 4096 : i32
    %broadcast_in_dim3A_32 = vector.broadcast %jit3A : i32 to vector<128x4096xi32>
    %select_n3A = arith.select %eq3A_31, %iota3A, %broadcast_in_dim3A_32 : vector<128x4096xi1>, vector<128x4096xi32>
    %reduce_min3A_33 = arith.constant dense<2147483647> : vector<128xi32>
    %reduce_min3A_34 = vector.multi_reduction <minsi>, %select_n3A, %reduce_min3A_33 [1] : vector<128x4096xi32> to vector<128xi32>
    %broadcast_in_dim3A_35 = vector.shape_cast %reduce_min3A_34 : vector<128xi32> to vector<128x1xi32>
    %eq3A_36 = vector.broadcast %broadcast_in_dim3A_35 : vector<128x1xi32> to vector<128x4096xi32>
    %eq3A_37 = arith.cmpi eq, %iota3A, %eq3A_36 : vector<128x4096xi32>
    %jit3A_38 = arith.constant 0x7F800000 : f32
    %broadcast_in_dim3A_39 = vector.broadcast %jit3A_38 : f32 to vector<128x4096xf32>
    %select_n3A_40 = arith.select %eq3A_37, %broadcast_in_dim3A_39, %sub3A : vector<128x4096xi1>, vector<128x4096xf32>
    %convert_element_type3A_41 = arith.extui %eq3A_37 : vector<128x4096xi1> to vector<128x4096xi32>
    %convert_element_type3A_42 = arith.sitofp %convert_element_type3A_41 : vector<128x4096xi32> to vector<128x4096xf32>
    %convert_element_type3A_43 = arith.truncf %convert_element_type3A_42 : vector<128x4096xf32> to vector<128x4096xbf16>
    %dot_general3A_44 = arith.constant dense<0.000000e+00> : vector<128x8xf32>
    %dot_general3A_45 = tpu.matmul %convert_element_type3A_43, %convert_element_type3A, %dot_general3A_44 {dimension_numbers = #tpu.dot_dimension_numbers<[1], [0], [0], [1], [0, 0, 1, 1], [], []>, transpose_lhs_hint = false} : vector<128x4096xbf16>, vector<4096x8xbf16>, vector<128x8xf32> -> vector<128x8xf32>
    %swap3A = arith.constant 0 : index
    %swap3A_46 = arith.constant 0 : index
    %swap3A_47 = arith.constant 0 : index
    %swap3A_48 = arith.constant 0 : index
    %swap3A_49 = vector.load %arg7[%swap3A, %swap3A_46, %swap3A_47, %swap3A_48] : memref<1x128x24x8xf32, #tpu.memory_space<vmem>>, vector<1x128x1x8xf32>
    %swap3A_50 = vector.shape_cast %swap3A_49 : vector<1x128x1x8xf32> to vector<128x8xf32>
    %swap3A_51 = vector.shape_cast %dot_general3A_45 : vector<128x8xf32> to vector<1x128x1x8xf32>
    tpu.vector_store %arg7[%swap3A, %swap3A_46, %swap3A_47, %swap3A_48], %swap3A_51 {strides = array<i32>} : memref<1x128x24x8xf32, #tpu.memory_space<vmem>>, vector<1x128x1x8xf32>,
    %add3A_52 = arith.addf %broadcast_in_dim3A_26, %dot_general3A_45 : vector<128x8xf32>
    %mul3A_53 = arith.mulf %dot_general3A_45, %dot_general3A_45 : vector<128x8xf32>
    %add3A_54 = arith.addf %broadcast_in_dim3A_28, %mul3A_53 : vector<128x8xf32>
    %reduce_min3A_55 = arith.constant dense<0x7F800000> : vector<128xf32>
    %reduce_min3A_56 = vector.multi_reduction <minimumf>, %select_n3A_40, %reduce_min3A_55 [1] : vector<128x4096xf32> to vector<128xf32>
    %broadcast_in_dim3A_57 = vector.shape_cast %reduce_min3A_56 : vector<128xf32> to vector<128x1xf32>
    %eq3A_58 = vector.broadcast %broadcast_in_dim3A_57 : vector<128x1xf32> to vector<128x4096xf32>
    %eq3A_59 = arith.cmpf oeq, %select_n3A_40, %eq3A_58 : vector<128x4096xf32>
    %jit3A_60 = arith.constant 4096 : i32
    %broadcast_in_dim3A_61 = vector.broadcast %jit3A_60 : i32 to vector<128x4096xi32>
    %select_n3A_62 = arith.select %eq3A_59, %iota3A, %broadcast_in_dim3A_61 : vector<128x4096xi1>, vector<128x4096xi32>
    %reduce_min3A_63 = arith.constant dense<2147483647> : vector<128xi32>
    %reduce_min3A_64 = vector.multi_reduction <minsi>, %select_n3A_62, %reduce_min3A_63 [1] : vector<128x4096xi32> to vector<128xi32>
    %broadcast_in_dim3A_65 = vector.shape_cast %reduce_min3A_64 : vector<128xi32> to vector<128x1xi32>
    %eq3A_66 = vector.broadcast %broadcast_in_dim3A_65 : vector<128x1xi32> to vector<128x4096xi32>
    %eq3A_67 = arith.cmpi eq, %iota3A, %eq3A_66 : vector<128x4096xi32>
    %jit3A_68 = arith.constant 0x7F800000 : f32
    %broadcast_in_dim3A_69 = vector.broadcast %jit3A_68 : f32 to vector<128x4096xf32>
    %select_n3A_70 = arith.select %eq3A_67, %broadcast_in_dim3A_69, %select_n3A_40 : vector<128x4096xi1>, vector<128x4096xf32>
    %convert_element_type3A_71 = arith.extui %eq3A_67 : vector<128x4096xi1> to vector<128x4096xi32>
    %convert_element_type3A_72 = arith.sitofp %convert_element_type3A_71 : vector<128x4096xi32> to vector<128x4096xf32>
    %convert_element_type3A_73 = arith.truncf %convert_element_type3A_72 : vector<128x4096xf32> to vector<128x4096xbf16>
    %dot_general3A_74 = arith.constant dense<0.000000e+00> : vector<128x8xf32>
    %dot_general3A_75 = tpu.matmul %convert_element_type3A_73, %convert_element_type3A, %dot_general3A_74 {dimension_numbers = #tpu.dot_dimension_numbers<[1], [0], [0], [1], [0, 0, 1, 1], [], []>, transpose_lhs_hint = false} : vector<128x4096xbf16>, vector<4096x8xbf16>, vector<128x8xf32> -> vector<128x8xf32>
    %swap3A_76 = arith.constant 0 : index
    %swap3A_77 = arith.constant 0 : index
    %swap3A_78 = arith.constant 1 : index
    %swap3A_79 = arith.constant 0 : index
    %swap3A_80 = vector.load %arg7[%swap3A_76, %swap3A_77, %swap3A_78, %swap3A_79] : memref<1x128x24x8xf32, #tpu.memory_space<vmem>>, vector<1x128x1x8xf32>
    %swap3A_81 = vector.shape_cast %swap3A_80 : vector<1x128x1x8xf32> to vector<128x8xf32>
    %swap3A_82 = vector.shape_cast %dot_general3A_75 : vector<128x8xf32> to vector<1x128x1x8xf32>
    tpu.vector_store %arg7[%swap3A_76, %swap3A_77, %swap3A_78, %swap3A_79], %swap3A_82 {strides = array<i32>} : memref<1x128x24x8xf32, #tpu.memory_space<vmem>>, vector<1x128x1x8xf32>,
    %add3A_83 = arith.addf %add3A_52, %dot_general3A_75 : vector<128x8xf32>
    %mul3A_84 = arith.mulf %dot_general3A_75, %dot_general3A_75 : vector<128x8xf32>
    %add3A_85 = arith.addf %add3A_54, %mul3A_84 : vector<128x8xf32>
    %reduce_min3A_86 = arith.constant dense<0x7F800000> : vector<128xf32>
    %reduce_min3A_87 = vector.multi_reduction <minimumf>, %select_n3A_70, %reduce_min3A_86 [1] : vector<128x4096xf32> to vector<128xf32>
    %broadcast_in_dim3A_88 = vector.shape_cast %reduce_min3A_87 : vector<128xf32> to vector<128x1xf32>
    %eq3A_89 = vector.broadcast %broadcast_in_dim3A_88 : vector<128x1xf32> to vector<128x4096xf32>
    %eq3A_90 = arith.cmpf oeq, %select_n3A_70, %eq3A_89 : vector<128x4096xf32>
    %jit3A_91 = arith.constant 4096 : i32
    %broadcast_in_dim3A_92 = vector.broadcast %jit3A_91 : i32 to vector<128x4096xi32>
    %select_n3A_93 = arith.select %eq3A_90, %iota3A, %broadcast_in_dim3A_92 : vector<128x4096xi1>, vector<128x4096xi32>
    %reduce_min3A_94 = arith.constant dense<2147483647> : vector<128xi32>
    %reduce_min3A_95 = vector.multi_reduction <minsi>, %select_n3A_93, %reduce_min3A_94 [1] : vector<128x4096xi32> to vector<128xi32>
    %broadcast_in_dim3A_96 = vector.shape_cast %reduce_min3A_95 : vector<128xi32> to vector<128x1xi32>
    %eq3A_97 = vector.broadcast %broadcast_in_dim3A_96 : vector<128x1xi32> to vector<128x4096xi32>
    %eq3A_98 = arith.cmpi eq, %iota3A, %eq3A_97 : vector<128x4096xi32>
    %jit3A_99 = arith.constant 0x7F800000 : f32
    %broadcast_in_dim3A_100 = vector.broadcast %jit3A_99 : f32 to vector<128x4096xf32>
    %select_n3A_101 = arith.select %eq3A_98, %broadcast_in_dim3A_100, %select_n3A_70 : vector<128x4096xi1>, vector<128x4096xf32>
    %convert_element_type3A_102 = arith.extui %eq3A_98 : vector<128x4096xi1> to vector<128x4096xi32>
    %convert_element_type3A_103 = arith.sitofp %convert_element_type3A_102 : vector<128x4096xi32> to vector<128x4096xf32>
    %convert_element_type3A_104 = arith.truncf %convert_element_type3A_103 : vector<128x4096xf32> to vector<128x4096xbf16>
    %dot_general3A_105 = arith.constant dense<0.000000e+00> : vector<128x8xf32>
    %dot_general3A_106 = tpu.matmul %convert_element_type3A_104, %convert_element_type3A, %dot_general3A_105 {dimension_numbers = #tpu.dot_dimension_numbers<[1], [0], [0], [1], [0, 0, 1, 1], [], []>, transpose_lhs_hint = false} : vector<128x4096xbf16>, vector<4096x8xbf16>, vector<128x8xf32> -> vector<128x8xf32>
    %swap3A_107 = arith.constant 0 : index
    %swap3A_108 = arith.constant 0 : index
    %swap3A_109 = arith.constant 2 : index
    %swap3A_110 = arith.constant 0 : index
    %swap3A_111 = vector.load %arg7[%swap3A_107, %swap3A_108, %swap3A_109, %swap3A_110] : memref<1x128x24x8xf32, #tpu.memory_space<vmem>>, vector<1x128x1x8xf32>
    %swap3A_112 = vector.shape_cast %swap3A_111 : vector<1x128x1x8xf32> to vector<128x8xf32>
    %swap3A_113 = vector.shape_cast %dot_general3A_106 : vector<128x8xf32> to vector<1x128x1x8xf32>
    tpu.vector_store %arg7[%swap3A_107, %swap3A_108, %swap3A_109, %swap3A_110], %swap3A_113 {strides = array<i32>} : memref<1x128x24x8xf32, #tpu.memory_space<vmem>>, vector<1x128x1x8xf32>,
    %add3A_114 = arith.addf %add3A_83, %dot_general3A_106 : vector<128x8xf32>
    %mul3A_115 = arith.mulf %dot_general3A_106, %dot_general3A_106 : vector<128x8xf32>
    %add3A_116 = arith.addf %add3A_85, %mul3A_115 : vector<128x8xf32>
    %reduce_min3A_117 = arith.constant dense<0x7F800000> : vector<128xf32>
    %reduce_min3A_118 = vector.multi_reduction <minimumf>, %select_n3A_101, %reduce_min3A_117 [1] : vector<128x4096xf32> to vector<128xf32>
    %broadcast_in_dim3A_119 = vector.shape_cast %reduce_min3A_118 : vector<128xf32> to vector<128x1xf32>
    %eq3A_120 = vector.broadcast %broadcast_in_dim3A_119 : vector<128x1xf32> to vector<128x4096xf32>
    %eq3A_121 = arith.cmpf oeq, %select_n3A_101, %eq3A_120 : vector<128x4096xf32>
    %jit3A_122 = arith.constant 4096 : i32
    %broadcast_in_dim3A_123 = vector.broadcast %jit3A_122 : i32 to vector<128x4096xi32>
    %select_n3A_124 = arith.select %eq3A_121, %iota3A, %broadcast_in_dim3A_123 : vector<128x4096xi1>, vector<128x4096xi32>
    %reduce_min3A_125 = arith.constant dense<2147483647> : vector<128xi32>
    %reduce_min3A_126 = vector.multi_reduction <minsi>, %select_n3A_124, %reduce_min3A_125 [1] : vector<128x4096xi32> to vector<128xi32>
    %broadcast_in_dim3A_127 = vector.shape_cast %reduce_min3A_126 : vector<128xi32> to vector<128x1xi32>
    %eq3A_128 = vector.broadcast %broadcast_in_dim3A_127 : vector<128x1xi32> to vector<128x4096xi32>
    %eq3A_129 = arith.cmpi eq, %iota3A, %eq3A_128 : vector<128x4096xi32>
    %jit3A_130 = arith.constant 0x7F800000 : f32
    %broadcast_in_dim3A_131 = vector.broadcast %jit3A_130 : f32 to vector<128x4096xf32>
    %select_n3A_132 = arith.select %eq3A_129, %broadcast_in_dim3A_131, %select_n3A_101 : vector<128x4096xi1>, vector<128x4096xf32>
    %convert_element_type3A_133 = arith.extui %eq3A_129 : vector<128x4096xi1> to vector<128x4096xi32>
    %convert_element_type3A_134 = arith.sitofp %convert_element_type3A_133 : vector<128x4096xi32> to vector<128x4096xf32>
    %convert_element_type3A_135 = arith.truncf %convert_element_type3A_134 : vector<128x4096xf32> to vector<128x4096xbf16>
    %dot_general3A_136 = arith.constant dense<0.000000e+00> : vector<128x8xf32>
    %dot_general3A_137 = tpu.matmul %convert_element_type3A_135, %convert_element_type3A, %dot_general3A_136 {dimension_numbers = #tpu.dot_dimension_numbers<[1], [0], [0], [1], [0, 0, 1, 1], [], []>, transpose_lhs_hint = false} : vector<128x4096xbf16>, vector<4096x8xbf16>, vector<128x8xf32> -> vector<128x8xf32>
    %swap3A_138 = arith.constant 0 : index
    %swap3A_139 = arith.constant 0 : index
    %swap3A_140 = arith.constant 3 : index
    %swap3A_141 = arith.constant 0 : index
    %swap3A_142 = vector.load %arg7[%swap3A_138, %swap3A_139, %swap3A_140, %swap3A_141] : memref<1x128x24x8xf32, #tpu.memory_space<vmem>>, vector<1x128x1x8xf32>
    %swap3A_143 = vector.shape_cast %swap3A_142 : vector<1x128x1x8xf32> to vector<128x8xf32>
    %swap3A_144 = vector.shape_cast %dot_general3A_137 : vector<128x8xf32> to vector<1x128x1x8xf32>
    tpu.vector_store %arg7[%swap3A_138, %swap3A_139, %swap3A_140, %swap3A_141], %swap3A_144 {strides = array<i32>} : memref<1x128x24x8xf32, #tpu.memory_space<vmem>>, vector<1x128x1x8xf32>,
    %add3A_145 = arith.addf %add3A_114, %dot_general3A_137 : vector<128x8xf32>
    %mul3A_146 = arith.mulf %dot_general3A_137, %dot_general3A_137 : vector<128x8xf32>
    %add3A_147 = arith.addf %add3A_116, %mul3A_146 : vector<128x8xf32>
    %reduce_min3A_148 = arith.constant dense<0x7F800000> : vector<128xf32>
    %reduce_min3A_149 = vector.multi_reduction <minimumf>, %select_n3A_132, %reduce_min3A_148 [1] : vector<128x4096xf32> to vector<128xf32>
    %broadcast_in_dim3A_150 = vector.shape_cast %reduce_min3A_149 : vector<128xf32> to vector<128x1xf32>
    %eq3A_151 = vector.broadcast %broadcast_in_dim3A_150 : vector<128x1xf32> to vector<128x4096xf32>
    %eq3A_152 = arith.cmpf oeq, %select_n3A_132, %eq3A_151 : vector<128x4096xf32>
    %jit3A_153 = arith.constant 4096 : i32
    %broadcast_in_dim3A_154 = vector.broadcast %jit3A_153 : i32 to vector<128x4096xi32>
    %select_n3A_155 = arith.select %eq3A_152, %iota3A, %broadcast_in_dim3A_154 : vector<128x4096xi1>, vector<128x4096xi32>
    %reduce_min3A_156 = arith.constant dense<2147483647> : vector<128xi32>
    %reduce_min3A_157 = vector.multi_reduction <minsi>, %select_n3A_155, %reduce_min3A_156 [1] : vector<128x4096xi32> to vector<128xi32>
    %broadcast_in_dim3A_158 = vector.shape_cast %reduce_min3A_157 : vector<128xi32> to vector<128x1xi32>
    %eq3A_159 = vector.broadcast %broadcast_in_dim3A_158 : vector<128x1xi32> to vector<128x4096xi32>
    %eq3A_160 = arith.cmpi eq, %iota3A, %eq3A_159 : vector<128x4096xi32>
    %jit3A_161 = arith.constant 0x7F800000 : f32
    %broadcast_in_dim3A_162 = vector.broadcast %jit3A_161 : f32 to vector<128x4096xf32>
    %select_n3A_163 = arith.select %eq3A_160, %broadcast_in_dim3A_162, %select_n3A_132 : vector<128x4096xi1>, vector<128x4096xf32>
    %convert_element_type3A_164 = arith.extui %eq3A_160 : vector<128x4096xi1> to vector<128x4096xi32>
    %convert_element_type3A_165 = arith.sitofp %convert_element_type3A_164 : vector<128x4096xi32> to vector<128x4096xf32>
    %convert_element_type3A_166 = arith.truncf %convert_element_type3A_165 : vector<128x4096xf32> to vector<128x4096xbf16>
    %dot_general3A_167 = arith.constant dense<0.000000e+00> : vector<128x8xf32>
    %dot_general3A_168 = tpu.matmul %convert_element_type3A_166, %convert_element_type3A, %dot_general3A_167 {dimension_numbers = #tpu.dot_dimension_numbers<[1], [0], [0], [1], [0, 0, 1, 1], [], []>, transpose_lhs_hint = false} : vector<128x4096xbf16>, vector<4096x8xbf16>, vector<128x8xf32> -> vector<128x8xf32>
    %swap3A_169 = arith.constant 0 : index
    %swap3A_170 = arith.constant 0 : index
    %swap3A_171 = arith.constant 4 : index
    %swap3A_172 = arith.constant 0 : index
    %swap3A_173 = vector.load %arg7[%swap3A_169, %swap3A_170, %swap3A_171, %swap3A_172] : memref<1x128x24x8xf32, #tpu.memory_space<vmem>>, vector<1x128x1x8xf32>
    %swap3A_174 = vector.shape_cast %swap3A_173 : vector<1x128x1x8xf32> to vector<128x8xf32>
    %swap3A_175 = vector.shape_cast %dot_general3A_168 : vector<128x8xf32> to vector<1x128x1x8xf32>
    tpu.vector_store %arg7[%swap3A_169, %swap3A_170, %swap3A_171, %swap3A_172], %swap3A_175 {strides = array<i32>} : memref<1x128x24x8xf32, #tpu.memory_space<vmem>>, vector<1x128x1x8xf32>,
    %add3A_176 = arith.addf %add3A_145, %dot_general3A_168 : vector<128x8xf32>
    %mul3A_177 = arith.mulf %dot_general3A_168, %dot_general3A_168 : vector<128x8xf32>
    %add3A_178 = arith.addf %add3A_147, %mul3A_177 : vector<128x8xf32>
    %reduce_min3A_179 = arith.constant dense<0x7F800000> : vector<128xf32>
    %reduce_min3A_180 = vector.multi_reduction <minimumf>, %select_n3A_163, %reduce_min3A_179 [1] : vector<128x4096xf32> to vector<128xf32>
    %broadcast_in_dim3A_181 = vector.shape_cast %reduce_min3A_180 : vector<128xf32> to vector<128x1xf32>
    %eq3A_182 = vector.broadcast %broadcast_in_dim3A_181 : vector<128x1xf32> to vector<128x4096xf32>
    %eq3A_183 = arith.cmpf oeq, %select_n3A_163, %eq3A_182 : vector<128x4096xf32>
    %jit3A_184 = arith.constant 4096 : i32
    %broadcast_in_dim3A_185 = vector.broadcast %jit3A_184 : i32 to vector<128x4096xi32>
    %select_n3A_186 = arith.select %eq3A_183, %iota3A, %broadcast_in_dim3A_185 : vector<128x4096xi1>, vector<128x4096xi32>
    %reduce_min3A_187 = arith.constant dense<2147483647> : vector<128xi32>
    %reduce_min3A_188 = vector.multi_reduction <minsi>, %select_n3A_186, %reduce_min3A_187 [1] : vector<128x4096xi32> to vector<128xi32>
    %broadcast_in_dim3A_189 = vector.shape_cast %reduce_min3A_188 : vector<128xi32> to vector<128x1xi32>
    %eq3A_190 = vector.broadcast %broadcast_in_dim3A_189 : vector<128x1xi32> to vector<128x4096xi32>
    %eq3A_191 = arith.cmpi eq, %iota3A, %eq3A_190 : vector<128x4096xi32>
    %jit3A_192 = arith.constant 0x7F800000 : f32
    %broadcast_in_dim3A_193 = vector.broadcast %jit3A_192 : f32 to vector<128x4096xf32>
    %select_n3A_194 = arith.select %eq3A_191, %broadcast_in_dim3A_193, %select_n3A_163 : vector<128x4096xi1>, vector<128x4096xf32>
    %convert_element_type3A_195 = arith.extui %eq3A_191 : vector<128x4096xi1> to vector<128x4096xi32>
    %convert_element_type3A_196 = arith.sitofp %convert_element_type3A_195 : vector<128x4096xi32> to vector<128x4096xf32>
    %convert_element_type3A_197 = arith.truncf %convert_element_type3A_196 : vector<128x4096xf32> to vector<128x4096xbf16>
    %dot_general3A_198 = arith.constant dense<0.000000e+00> : vector<128x8xf32>
    %dot_general3A_199 = tpu.matmul %convert_element_type3A_197, %convert_element_type3A, %dot_general3A_198 {dimension_numbers = #tpu.dot_dimension_numbers<[1], [0], [0], [1], [0, 0, 1, 1], [], []>, transpose_lhs_hint = false} : vector<128x4096xbf16>, vector<4096x8xbf16>, vector<128x8xf32> -> vector<128x8xf32>
    %swap3A_200 = arith.constant 0 : index
    %swap3A_201 = arith.constant 0 : index
    %swap3A_202 = arith.constant 5 : index
    %swap3A_203 = arith.constant 0 : index
    %swap3A_204 = vector.load %arg7[%swap3A_200, %swap3A_201, %swap3A_202, %swap3A_203] : memref<1x128x24x8xf32, #tpu.memory_space<vmem>>, vector<1x128x1x8xf32>
    %swap3A_205 = vector.shape_cast %swap3A_204 : vector<1x128x1x8xf32> to vector<128x8xf32>
    %swap3A_206 = vector.shape_cast %dot_general3A_199 : vector<128x8xf32> to vector<1x128x1x8xf32>
    tpu.vector_store %arg7[%swap3A_200, %swap3A_201, %swap3A_202, %swap3A_203], %swap3A_206 {strides = array<i32>} : memref<1x128x24x8xf32, #tpu.memory_space<vmem>>, vector<1x128x1x8xf32>,
    %add3A_207 = arith.addf %add3A_176, %dot_general3A_199 : vector<128x8xf32>
    %mul3A_208 = arith.mulf %dot_general3A_199, %dot_general3A_199 : vector<128x8xf32>
    %add3A_209 = arith.addf %add3A_178, %mul3A_208 : vector<128x8xf32>
    %reduce_min3A_210 = arith.constant dense<0x7F800000> : vector<128xf32>
    %reduce_min3A_211 = vector.multi_reduction <minimumf>, %select_n3A_194, %reduce_min3A_210 [1] : vector<128x4096xf32> to vector<128xf32>
    %broadcast_in_dim3A_212 = vector.shape_cast %reduce_min3A_211 : vector<128xf32> to vector<128x1xf32>
    %eq3A_213 = vector.broadcast %broadcast_in_dim3A_212 : vector<128x1xf32> to vector<128x4096xf32>
    %eq3A_214 = arith.cmpf oeq, %select_n3A_194, %eq3A_213 : vector<128x4096xf32>
    %jit3A_215 = arith.constant 4096 : i32
    %broadcast_in_dim3A_216 = vector.broadcast %jit3A_215 : i32 to vector<128x4096xi32>
    %select_n3A_217 = arith.select %eq3A_214, %iota3A, %broadcast_in_dim3A_216 : vector<128x4096xi1>, vector<128x4096xi32>
    %reduce_min3A_218 = arith.constant dense<2147483647> : vector<128xi32>
    %reduce_min3A_219 = vector.multi_reduction <minsi>, %select_n3A_217, %reduce_min3A_218 [1] : vector<128x4096xi32> to vector<128xi32>
    %broadcast_in_dim3A_220 = vector.shape_cast %reduce_min3A_219 : vector<128xi32> to vector<128x1xi32>
    %eq3A_221 = vector.broadcast %broadcast_in_dim3A_220 : vector<128x1xi32> to vector<128x4096xi32>
    %eq3A_222 = arith.cmpi eq, %iota3A, %eq3A_221 : vector<128x4096xi32>
    %jit3A_223 = arith.constant 0x7F800000 : f32
    %broadcast_in_dim3A_224 = vector.broadcast %jit3A_223 : f32 to vector<128x4096xf32>
    %select_n3A_225 = arith.select %eq3A_222, %broadcast_in_dim3A_224, %select_n3A_194 : vector<128x4096xi1>, vector<128x4096xf32>
    %convert_element_type3A_226 = arith.extui %eq3A_222 : vector<128x4096xi1> to vector<128x4096xi32>
    %convert_element_type3A_227 = arith.sitofp %convert_element_type3A_226 : vector<128x4096xi32> to vector<128x4096xf32>
    %convert_element_type3A_228 = arith.truncf %convert_element_type3A_227 : vector<128x4096xf32> to vector<128x4096xbf16>
    %dot_general3A_229 = arith.constant dense<0.000000e+00> : vector<128x8xf32>
    %dot_general3A_230 = tpu.matmul %convert_element_type3A_228, %convert_element_type3A, %dot_general3A_229 {dimension_numbers = #tpu.dot_dimension_numbers<[1], [0], [0], [1], [0, 0, 1, 1], [], []>, transpose_lhs_hint = false} : vector<128x4096xbf16>, vector<4096x8xbf16>, vector<128x8xf32> -> vector<128x8xf32>
    %swap3A_231 = arith.constant 0 : index
    %swap3A_232 = arith.constant 0 : index
    %swap3A_233 = arith.constant 6 : index
    %swap3A_234 = arith.constant 0 : index
    %swap3A_235 = vector.load %arg7[%swap3A_231, %swap3A_232, %swap3A_233, %swap3A_234] : memref<1x128x24x8xf32, #tpu.memory_space<vmem>>, vector<1x128x1x8xf32>
    %swap3A_236 = vector.shape_cast %swap3A_235 : vector<1x128x1x8xf32> to vector<128x8xf32>
    %swap3A_237 = vector.shape_cast %dot_general3A_230 : vector<128x8xf32> to vector<1x128x1x8xf32>
    tpu.vector_store %arg7[%swap3A_231, %swap3A_232, %swap3A_233, %swap3A_234], %swap3A_237 {strides = array<i32>} : memref<1x128x24x8xf32, #tpu.memory_space<vmem>>, vector<1x128x1x8xf32>,
    %add3A_238 = arith.addf %add3A_207, %dot_general3A_230 : vector<128x8xf32>
    %mul3A_239 = arith.mulf %dot_general3A_230, %dot_general3A_230 : vector<128x8xf32>
    %add3A_240 = arith.addf %add3A_209, %mul3A_239 : vector<128x8xf32>
    %reduce_min3A_241 = arith.constant dense<0x7F800000> : vector<128xf32>
    %reduce_min3A_242 = vector.multi_reduction <minimumf>, %select_n3A_225, %reduce_min3A_241 [1] : vector<128x4096xf32> to vector<128xf32>
    %broadcast_in_dim3A_243 = vector.shape_cast %reduce_min3A_242 : vector<128xf32> to vector<128x1xf32>
    %eq3A_244 = vector.broadcast %broadcast_in_dim3A_243 : vector<128x1xf32> to vector<128x4096xf32>
    %eq3A_245 = arith.cmpf oeq, %select_n3A_225, %eq3A_244 : vector<128x4096xf32>
    %jit3A_246 = arith.constant 4096 : i32
    %broadcast_in_dim3A_247 = vector.broadcast %jit3A_246 : i32 to vector<128x4096xi32>
    %select_n3A_248 = arith.select %eq3A_245, %iota3A, %broadcast_in_dim3A_247 : vector<128x4096xi1>, vector<128x4096xi32>
    %reduce_min3A_249 = arith.constant dense<2147483647> : vector<128xi32>
    %reduce_min3A_250 = vector.multi_reduction <minsi>, %select_n3A_248, %reduce_min3A_249 [1] : vector<128x4096xi32> to vector<128xi32>
    %broadcast_in_dim3A_251 = vector.shape_cast %reduce_min3A_250 : vector<128xi32> to vector<128x1xi32>
    %eq3A_252 = vector.broadcast %broadcast_in_dim3A_251 : vector<128x1xi32> to vector<128x4096xi32>
    %eq3A_253 = arith.cmpi eq, %iota3A, %eq3A_252 : vector<128x4096xi32>
    %jit3A_254 = arith.constant 0x7F800000 : f32
    %broadcast_in_dim3A_255 = vector.broadcast %jit3A_254 : f32 to vector<128x4096xf32>
    %select_n3A_256 = arith.select %eq3A_253, %broadcast_in_dim3A_255, %select_n3A_225 : vector<128x4096xi1>, vector<128x4096xf32>
    %convert_element_type3A_257 = arith.extui %eq3A_253 : vector<128x4096xi1> to vector<128x4096xi32>
    %convert_element_type3A_258 = arith.sitofp %convert_element_type3A_257 : vector<128x4096xi32> to vector<128x4096xf32>
    %convert_element_type3A_259 = arith.truncf %convert_element_type3A_258 : vector<128x4096xf32> to vector<128x4096xbf16>
    %dot_general3A_260 = arith.constant dense<0.000000e+00> : vector<128x8xf32>
    %dot_general3A_261 = tpu.matmul %convert_element_type3A_259, %convert_element_type3A, %dot_general3A_260 {dimension_numbers = #tpu.dot_dimension_numbers<[1], [0], [0], [1], [0, 0, 1, 1], [], []>, transpose_lhs_hint = false} : vector<128x4096xbf16>, vector<4096x8xbf16>, vector<128x8xf32> -> vector<128x8xf32>
    %swap3A_262 = arith.constant 0 : index
    %swap3A_263 = arith.constant 0 : index
    %swap3A_264 = arith.constant 7 : index
    %swap3A_265 = arith.constant 0 : index
    %swap3A_266 = vector.load %arg7[%swap3A_262, %swap3A_263, %swap3A_264, %swap3A_265] : memref<1x128x24x8xf32, #tpu.memory_space<vmem>>, vector<1x128x1x8xf32>
    %swap3A_267 = vector.shape_cast %swap3A_266 : vector<1x128x1x8xf32> to vector<128x8xf32>
    %swap3A_268 = vector.shape_cast %dot_general3A_261 : vector<128x8xf32> to vector<1x128x1x8xf32>
    tpu.vector_store %arg7[%swap3A_262, %swap3A_263, %swap3A_264, %swap3A_265], %swap3A_268 {strides = array<i32>} : memref<1x128x24x8xf32, #tpu.memory_space<vmem>>, vector<1x128x1x8xf32>,
    %add3A_269 = arith.addf %add3A_238, %dot_general3A_261 : vector<128x8xf32>
    %mul3A_270 = arith.mulf %dot_general3A_261, %dot_general3A_261 : vector<128x8xf32>
    %add3A_271 = arith.addf %add3A_240, %mul3A_270 : vector<128x8xf32>
    %reduce_min3A_272 = arith.constant dense<0x7F800000> : vector<128xf32>
    %reduce_min3A_273 = vector.multi_reduction <minimumf>, %select_n3A_256, %reduce_min3A_272 [1] : vector<128x4096xf32> to vector<128xf32>
    %broadcast_in_dim3A_274 = vector.shape_cast %reduce_min3A_273 : vector<128xf32> to vector<128x1xf32>
    %eq3A_275 = vector.broadcast %broadcast_in_dim3A_274 : vector<128x1xf32> to vector<128x4096xf32>
    %eq3A_276 = arith.cmpf oeq, %select_n3A_256, %eq3A_275 : vector<128x4096xf32>
    %jit3A_277 = arith.constant 4096 : i32
    %broadcast_in_dim3A_278 = vector.broadcast %jit3A_277 : i32 to vector<128x4096xi32>
    %select_n3A_279 = arith.select %eq3A_276, %iota3A, %broadcast_in_dim3A_278 : vector<128x4096xi1>, vector<128x4096xi32>
    %reduce_min3A_280 = arith.constant dense<2147483647> : vector<128xi32>
    %reduce_min3A_281 = vector.multi_reduction <minsi>, %select_n3A_279, %reduce_min3A_280 [1] : vector<128x4096xi32> to vector<128xi32>
    %broadcast_in_dim3A_282 = vector.shape_cast %reduce_min3A_281 : vector<128xi32> to vector<128x1xi32>
    %eq3A_283 = vector.broadcast %broadcast_in_dim3A_282 : vector<128x1xi32> to vector<128x4096xi32>
    %eq3A_284 = arith.cmpi eq, %iota3A, %eq3A_283 : vector<128x4096xi32>
    %jit3A_285 = arith.constant 0x7F800000 : f32
    %broadcast_in_dim3A_286 = vector.broadcast %jit3A_285 : f32 to vector<128x4096xf32>
    %select_n3A_287 = arith.select %eq3A_284, %broadcast_in_dim3A_286, %select_n3A_256 : vector<128x4096xi1>, vector<128x4096xf32>
    %convert_element_type3A_288 = arith.extui %eq3A_284 : vector<128x4096xi1> to vector<128x4096xi32>
    %convert_element_type3A_289 = arith.sitofp %convert_element_type3A_288 : vector<128x4096xi32> to vector<128x4096xf32>
    %convert_element_type3A_290 = arith.truncf %convert_element_type3A_289 : vector<128x4096xf32> to vector<128x4096xbf16>
    %dot_general3A_291 = arith.constant dense<0.000000e+00> : vector<128x8xf32>
    %dot_general3A_292 = tpu.matmul %convert_element_type3A_290, %convert_element_type3A, %dot_general3A_291 {dimension_numbers = #tpu.dot_dimension_numbers<[1], [0], [0], [1], [0, 0, 1, 1], [], []>, transpose_lhs_hint = false} : vector<128x4096xbf16>, vector<4096x8xbf16>, vector<128x8xf32> -> vector<128x8xf32>
    %swap3A_293 = arith.constant 0 : index
    %swap3A_294 = arith.constant 0 : index
    %swap3A_295 = arith.constant 8 : index
    %swap3A_296 = arith.constant 0 : index
    %swap3A_297 = vector.load %arg7[%swap3A_293, %swap3A_294, %swap3A_295, %swap3A_296] : memref<1x128x24x8xf32, #tpu.memory_space<vmem>>, vector<1x128x1x8xf32>
    %swap3A_298 = vector.shape_cast %swap3A_297 : vector<1x128x1x8xf32> to vector<128x8xf32>
    %swap3A_299 = vector.shape_cast %dot_general3A_292 : vector<128x8xf32> to vector<1x128x1x8xf32>
    tpu.vector_store %arg7[%swap3A_293, %swap3A_294, %swap3A_295, %swap3A_296], %swap3A_299 {strides = array<i32>} : memref<1x128x24x8xf32, #tpu.memory_space<vmem>>, vector<1x128x1x8xf32>,
    %add3A_300 = arith.addf %add3A_269, %dot_general3A_292 : vector<128x8xf32>
    %mul3A_301 = arith.mulf %dot_general3A_292, %dot_general3A_292 : vector<128x8xf32>
    %add3A_302 = arith.addf %add3A_271, %mul3A_301 : vector<128x8xf32>
    %reduce_min3A_303 = arith.constant dense<0x7F800000> : vector<128xf32>
    %reduce_min3A_304 = vector.multi_reduction <minimumf>, %select_n3A_287, %reduce_min3A_303 [1] : vector<128x4096xf32> to vector<128xf32>
    %broadcast_in_dim3A_305 = vector.shape_cast %reduce_min3A_304 : vector<128xf32> to vector<128x1xf32>
    %eq3A_306 = vector.broadcast %broadcast_in_dim3A_305 : vector<128x1xf32> to vector<128x4096xf32>
    %eq3A_307 = arith.cmpf oeq, %select_n3A_287, %eq3A_306 : vector<128x4096xf32>
    %jit3A_308 = arith.constant 4096 : i32
    %broadcast_in_dim3A_309 = vector.broadcast %jit3A_308 : i32 to vector<128x4096xi32>
    %select_n3A_310 = arith.select %eq3A_307, %iota3A, %broadcast_in_dim3A_309 : vector<128x4096xi1>, vector<128x4096xi32>
    %reduce_min3A_311 = arith.constant dense<2147483647> : vector<128xi32>
    %reduce_min3A_312 = vector.multi_reduction <minsi>, %select_n3A_310, %reduce_min3A_311 [1] : vector<128x4096xi32> to vector<128xi32>
    %broadcast_in_dim3A_313 = vector.shape_cast %reduce_min3A_312 : vector<128xi32> to vector<128x1xi32>
    %eq3A_314 = vector.broadcast %broadcast_in_dim3A_313 : vector<128x1xi32> to vector<128x4096xi32>
    %eq3A_315 = arith.cmpi eq, %iota3A, %eq3A_314 : vector<128x4096xi32>
    %jit3A_316 = arith.constant 0x7F800000 : f32
    %broadcast_in_dim3A_317 = vector.broadcast %jit3A_316 : f32 to vector<128x4096xf32>
    %select_n3A_318 = arith.select %eq3A_315, %broadcast_in_dim3A_317, %select_n3A_287 : vector<128x4096xi1>, vector<128x4096xf32>
    %convert_element_type3A_319 = arith.extui %eq3A_315 : vector<128x4096xi1> to vector<128x4096xi32>
    %convert_element_type3A_320 = arith.sitofp %convert_element_type3A_319 : vector<128x4096xi32> to vector<128x4096xf32>
    %convert_element_type3A_321 = arith.truncf %convert_element_type3A_320 : vector<128x4096xf32> to vector<128x4096xbf16>
    %dot_general3A_322 = arith.constant dense<0.000000e+00> : vector<128x8xf32>
    %dot_general3A_323 = tpu.matmul %convert_element_type3A_321, %convert_element_type3A, %dot_general3A_322 {dimension_numbers = #tpu.dot_dimension_numbers<[1], [0], [0], [1], [0, 0, 1, 1], [], []>, transpose_lhs_hint = false} : vector<128x4096xbf16>, vector<4096x8xbf16>, vector<128x8xf32> -> vector<128x8xf32>
    %swap3A_324 = arith.constant 0 : index
    %swap3A_325 = arith.constant 0 : index
    %swap3A_326 = arith.constant 9 : index
    %swap3A_327 = arith.constant 0 : index
    %swap3A_328 = vector.load %arg7[%swap3A_324, %swap3A_325, %swap3A_326, %swap3A_327] : memref<1x128x24x8xf32, #tpu.memory_space<vmem>>, vector<1x128x1x8xf32>
    %swap3A_329 = vector.shape_cast %swap3A_328 : vector<1x128x1x8xf32> to vector<128x8xf32>
    %swap3A_330 = vector.shape_cast %dot_general3A_323 : vector<128x8xf32> to vector<1x128x1x8xf32>
    tpu.vector_store %arg7[%swap3A_324, %swap3A_325, %swap3A_326, %swap3A_327], %swap3A_330 {strides = array<i32>} : memref<1x128x24x8xf32, #tpu.memory_space<vmem>>, vector<1x128x1x8xf32>,
    %add3A_331 = arith.addf %add3A_300, %dot_general3A_323 : vector<128x8xf32>
    %mul3A_332 = arith.mulf %dot_general3A_323, %dot_general3A_323 : vector<128x8xf32>
    %add3A_333 = arith.addf %add3A_302, %mul3A_332 : vector<128x8xf32>
    %reduce_min3A_334 = arith.constant dense<0x7F800000> : vector<128xf32>
    %reduce_min3A_335 = vector.multi_reduction <minimumf>, %select_n3A_318, %reduce_min3A_334 [1] : vector<128x4096xf32> to vector<128xf32>
    %broadcast_in_dim3A_336 = vector.shape_cast %reduce_min3A_335 : vector<128xf32> to vector<128x1xf32>
    %eq3A_337 = vector.broadcast %broadcast_in_dim3A_336 : vector<128x1xf32> to vector<128x4096xf32>
    %eq3A_338 = arith.cmpf oeq, %select_n3A_318, %eq3A_337 : vector<128x4096xf32>
    %jit3A_339 = arith.constant 4096 : i32
    %broadcast_in_dim3A_340 = vector.broadcast %jit3A_339 : i32 to vector<128x4096xi32>
    %select_n3A_341 = arith.select %eq3A_338, %iota3A, %broadcast_in_dim3A_340 : vector<128x4096xi1>, vector<128x4096xi32>
    %reduce_min3A_342 = arith.constant dense<2147483647> : vector<128xi32>
    %reduce_min3A_343 = vector.multi_reduction <minsi>, %select_n3A_341, %reduce_min3A_342 [1] : vector<128x4096xi32> to vector<128xi32>
    %broadcast_in_dim3A_344 = vector.shape_cast %reduce_min3A_343 : vector<128xi32> to vector<128x1xi32>
    %eq3A_345 = vector.broadcast %broadcast_in_dim3A_344 : vector<128x1xi32> to vector<128x4096xi32>
    %eq3A_346 = arith.cmpi eq, %iota3A, %eq3A_345 : vector<128x4096xi32>
    %jit3A_347 = arith.constant 0x7F800000 : f32
    %broadcast_in_dim3A_348 = vector.broadcast %jit3A_347 : f32 to vector<128x4096xf32>
    %select_n3A_349 = arith.select %eq3A_346, %broadcast_in_dim3A_348, %select_n3A_318 : vector<128x4096xi1>, vector<128x4096xf32>
    %convert_element_type3A_350 = arith.extui %eq3A_346 : vector<128x4096xi1> to vector<128x4096xi32>
    %convert_element_type3A_351 = arith.sitofp %convert_element_type3A_350 : vector<128x4096xi32> to vector<128x4096xf32>
    %convert_element_type3A_352 = arith.truncf %convert_element_type3A_351 : vector<128x4096xf32> to vector<128x4096xbf16>
    %dot_general3A_353 = arith.constant dense<0.000000e+00> : vector<128x8xf32>
    %dot_general3A_354 = tpu.matmul %convert_element_type3A_352, %convert_element_type3A, %dot_general3A_353 {dimension_numbers = #tpu.dot_dimension_numbers<[1], [0], [0], [1], [0, 0, 1, 1], [], []>, transpose_lhs_hint = false} : vector<128x4096xbf16>, vector<4096x8xbf16>, vector<128x8xf32> -> vector<128x8xf32>
    %swap3A_355 = arith.constant 0 : index
    %swap3A_356 = arith.constant 0 : index
    %swap3A_357 = arith.constant 10 : index
    %swap3A_358 = arith.constant 0 : index
    %swap3A_359 = vector.load %arg7[%swap3A_355, %swap3A_356, %swap3A_357, %swap3A_358] : memref<1x128x24x8xf32, #tpu.memory_space<vmem>>, vector<1x128x1x8xf32>
    %swap3A_360 = vector.shape_cast %swap3A_359 : vector<1x128x1x8xf32> to vector<128x8xf32>
    %swap3A_361 = vector.shape_cast %dot_general3A_354 : vector<128x8xf32> to vector<1x128x1x8xf32>
    tpu.vector_store %arg7[%swap3A_355, %swap3A_356, %swap3A_357, %swap3A_358], %swap3A_361 {strides = array<i32>} : memref<1x128x24x8xf32, #tpu.memory_space<vmem>>, vector<1x128x1x8xf32>,
    %add3A_362 = arith.addf %add3A_331, %dot_general3A_354 : vector<128x8xf32>
    %mul3A_363 = arith.mulf %dot_general3A_354, %dot_general3A_354 : vector<128x8xf32>
    %add3A_364 = arith.addf %add3A_333, %mul3A_363 : vector<128x8xf32>
    %reduce_min3A_365 = arith.constant dense<0x7F800000> : vector<128xf32>
    %reduce_min3A_366 = vector.multi_reduction <minimumf>, %select_n3A_349, %reduce_min3A_365 [1] : vector<128x4096xf32> to vector<128xf32>
    %broadcast_in_dim3A_367 = vector.shape_cast %reduce_min3A_366 : vector<128xf32> to vector<128x1xf32>
    %eq3A_368 = vector.broadcast %broadcast_in_dim3A_367 : vector<128x1xf32> to vector<128x4096xf32>
    %eq3A_369 = arith.cmpf oeq, %select_n3A_349, %eq3A_368 : vector<128x4096xf32>
    %jit3A_370 = arith.constant 4096 : i32
    %broadcast_in_dim3A_371 = vector.broadcast %jit3A_370 : i32 to vector<128x4096xi32>
    %select_n3A_372 = arith.select %eq3A_369, %iota3A, %broadcast_in_dim3A_371 : vector<128x4096xi1>, vector<128x4096xi32>
    %reduce_min3A_373 = arith.constant dense<2147483647> : vector<128xi32>
    %reduce_min3A_374 = vector.multi_reduction <minsi>, %select_n3A_372, %reduce_min3A_373 [1] : vector<128x4096xi32> to vector<128xi32>
    %broadcast_in_dim3A_375 = vector.shape_cast %reduce_min3A_374 : vector<128xi32> to vector<128x1xi32>
    %eq3A_376 = vector.broadcast %broadcast_in_dim3A_375 : vector<128x1xi32> to vector<128x4096xi32>
    %eq3A_377 = arith.cmpi eq, %iota3A, %eq3A_376 : vector<128x4096xi32>
    %jit3A_378 = arith.constant 0x7F800000 : f32
    %broadcast_in_dim3A_379 = vector.broadcast %jit3A_378 : f32 to vector<128x4096xf32>
    %select_n3A_380 = arith.select %eq3A_377, %broadcast_in_dim3A_379, %select_n3A_349 : vector<128x4096xi1>, vector<128x4096xf32>
    %convert_element_type3A_381 = arith.extui %eq3A_377 : vector<128x4096xi1> to vector<128x4096xi32>
    %convert_element_type3A_382 = arith.sitofp %convert_element_type3A_381 : vector<128x4096xi32> to vector<128x4096xf32>
    %convert_element_type3A_383 = arith.truncf %convert_element_type3A_382 : vector<128x4096xf32> to vector<128x4096xbf16>
    %dot_general3A_384 = arith.constant dense<0.000000e+00> : vector<128x8xf32>
    %dot_general3A_385 = tpu.matmul %convert_element_type3A_383, %convert_element_type3A, %dot_general3A_384 {dimension_numbers = #tpu.dot_dimension_numbers<[1], [0], [0], [1], [0, 0, 1, 1], [], []>, transpose_lhs_hint = false} : vector<128x4096xbf16>, vector<4096x8xbf16>, vector<128x8xf32> -> vector<128x8xf32>
    %swap3A_386 = arith.constant 0 : index
    %swap3A_387 = arith.constant 0 : index
    %swap3A_388 = arith.constant 11 : index
    %swap3A_389 = arith.constant 0 : index
    %swap3A_390 = vector.load %arg7[%swap3A_386, %swap3A_387, %swap3A_388, %swap3A_389] : memref<1x128x24x8xf32, #tpu.memory_space<vmem>>, vector<1x128x1x8xf32>
    %swap3A_391 = vector.shape_cast %swap3A_390 : vector<1x128x1x8xf32> to vector<128x8xf32>
    %swap3A_392 = vector.shape_cast %dot_general3A_385 : vector<128x8xf32> to vector<1x128x1x8xf32>
    tpu.vector_store %arg7[%swap3A_386, %swap3A_387, %swap3A_388, %swap3A_389], %swap3A_392 {strides = array<i32>} : memref<1x128x24x8xf32, #tpu.memory_space<vmem>>, vector<1x128x1x8xf32>,
    %add3A_393 = arith.addf %add3A_362, %dot_general3A_385 : vector<128x8xf32>
    %mul3A_394 = arith.mulf %dot_general3A_385, %dot_general3A_385 : vector<128x8xf32>
    %add3A_395 = arith.addf %add3A_364, %mul3A_394 : vector<128x8xf32>
    %reduce_min3A_396 = arith.constant dense<0x7F800000> : vector<128xf32>
    %reduce_min3A_397 = vector.multi_reduction <minimumf>, %select_n3A_380, %reduce_min3A_396 [1] : vector<128x4096xf32> to vector<128xf32>
    %broadcast_in_dim3A_398 = vector.shape_cast %reduce_min3A_397 : vector<128xf32> to vector<128x1xf32>
    %eq3A_399 = vector.broadcast %broadcast_in_dim3A_398 : vector<128x1xf32> to vector<128x4096xf32>
    %eq3A_400 = arith.cmpf oeq, %select_n3A_380, %eq3A_399 : vector<128x4096xf32>
    %jit3A_401 = arith.constant 4096 : i32
    %broadcast_in_dim3A_402 = vector.broadcast %jit3A_401 : i32 to vector<128x4096xi32>
    %select_n3A_403 = arith.select %eq3A_400, %iota3A, %broadcast_in_dim3A_402 : vector<128x4096xi1>, vector<128x4096xi32>
    %reduce_min3A_404 = arith.constant dense<2147483647> : vector<128xi32>
    %reduce_min3A_405 = vector.multi_reduction <minsi>, %select_n3A_403, %reduce_min3A_404 [1] : vector<128x4096xi32> to vector<128xi32>
    %broadcast_in_dim3A_406 = vector.shape_cast %reduce_min3A_405 : vector<128xi32> to vector<128x1xi32>
    %eq3A_407 = vector.broadcast %broadcast_in_dim3A_406 : vector<128x1xi32> to vector<128x4096xi32>
    %eq3A_408 = arith.cmpi eq, %iota3A, %eq3A_407 : vector<128x4096xi32>
    %jit3A_409 = arith.constant 0x7F800000 : f32
    %broadcast_in_dim3A_410 = vector.broadcast %jit3A_409 : f32 to vector<128x4096xf32>
    %select_n3A_411 = arith.select %eq3A_408, %broadcast_in_dim3A_410, %select_n3A_380 : vector<128x4096xi1>, vector<128x4096xf32>
    %convert_element_type3A_412 = arith.extui %eq3A_408 : vector<128x4096xi1> to vector<128x4096xi32>
    %convert_element_type3A_413 = arith.sitofp %convert_element_type3A_412 : vector<128x4096xi32> to vector<128x4096xf32>
    %convert_element_type3A_414 = arith.truncf %convert_element_type3A_413 : vector<128x4096xf32> to vector<128x4096xbf16>
    %dot_general3A_415 = arith.constant dense<0.000000e+00> : vector<128x8xf32>
    %dot_general3A_416 = tpu.matmul %convert_element_type3A_414, %convert_element_type3A, %dot_general3A_415 {dimension_numbers = #tpu.dot_dimension_numbers<[1], [0], [0], [1], [0, 0, 1, 1], [], []>, transpose_lhs_hint = false} : vector<128x4096xbf16>, vector<4096x8xbf16>, vector<128x8xf32> -> vector<128x8xf32>
    %swap3A_417 = arith.constant 0 : index
    %swap3A_418 = arith.constant 0 : index
    %swap3A_419 = arith.constant 12 : index
    %swap3A_420 = arith.constant 0 : index
    %swap3A_421 = vector.load %arg7[%swap3A_417, %swap3A_418, %swap3A_419, %swap3A_420] : memref<1x128x24x8xf32, #tpu.memory_space<vmem>>, vector<1x128x1x8xf32>
    %swap3A_422 = vector.shape_cast %swap3A_421 : vector<1x128x1x8xf32> to vector<128x8xf32>
    %swap3A_423 = vector.shape_cast %dot_general3A_416 : vector<128x8xf32> to vector<1x128x1x8xf32>
    tpu.vector_store %arg7[%swap3A_417, %swap3A_418, %swap3A_419, %swap3A_420], %swap3A_423 {strides = array<i32>} : memref<1x128x24x8xf32, #tpu.memory_space<vmem>>, vector<1x128x1x8xf32>,
    %add3A_424 = arith.addf %add3A_393, %dot_general3A_416 : vector<128x8xf32>
    %mul3A_425 = arith.mulf %dot_general3A_416, %dot_general3A_416 : vector<128x8xf32>
    %add3A_426 = arith.addf %add3A_395, %mul3A_425 : vector<128x8xf32>
    %reduce_min3A_427 = arith.constant dense<0x7F800000> : vector<128xf32>
    %reduce_min3A_428 = vector.multi_reduction <minimumf>, %select_n3A_411, %reduce_min3A_427 [1] : vector<128x4096xf32> to vector<128xf32>
    %broadcast_in_dim3A_429 = vector.shape_cast %reduce_min3A_428 : vector<128xf32> to vector<128x1xf32>
    %eq3A_430 = vector.broadcast %broadcast_in_dim3A_429 : vector<128x1xf32> to vector<128x4096xf32>
    %eq3A_431 = arith.cmpf oeq, %select_n3A_411, %eq3A_430 : vector<128x4096xf32>
    %jit3A_432 = arith.constant 4096 : i32
    %broadcast_in_dim3A_433 = vector.broadcast %jit3A_432 : i32 to vector<128x4096xi32>
    %select_n3A_434 = arith.select %eq3A_431, %iota3A, %broadcast_in_dim3A_433 : vector<128x4096xi1>, vector<128x4096xi32>
    %reduce_min3A_435 = arith.constant dense<2147483647> : vector<128xi32>
    %reduce_min3A_436 = vector.multi_reduction <minsi>, %select_n3A_434, %reduce_min3A_435 [1] : vector<128x4096xi32> to vector<128xi32>
    %broadcast_in_dim3A_437 = vector.shape_cast %reduce_min3A_436 : vector<128xi32> to vector<128x1xi32>
    %eq3A_438 = vector.broadcast %broadcast_in_dim3A_437 : vector<128x1xi32> to vector<128x4096xi32>
    %eq3A_439 = arith.cmpi eq, %iota3A, %eq3A_438 : vector<128x4096xi32>
    %jit3A_440 = arith.constant 0x7F800000 : f32
    %broadcast_in_dim3A_441 = vector.broadcast %jit3A_440 : f32 to vector<128x4096xf32>
    %select_n3A_442 = arith.select %eq3A_439, %broadcast_in_dim3A_441, %select_n3A_411 : vector<128x4096xi1>, vector<128x4096xf32>
    %convert_element_type3A_443 = arith.extui %eq3A_439 : vector<128x4096xi1> to vector<128x4096xi32>
    %convert_element_type3A_444 = arith.sitofp %convert_element_type3A_443 : vector<128x4096xi32> to vector<128x4096xf32>
    %convert_element_type3A_445 = arith.truncf %convert_element_type3A_444 : vector<128x4096xf32> to vector<128x4096xbf16>
    %dot_general3A_446 = arith.constant dense<0.000000e+00> : vector<128x8xf32>
    %dot_general3A_447 = tpu.matmul %convert_element_type3A_445, %convert_element_type3A, %dot_general3A_446 {dimension_numbers = #tpu.dot_dimension_numbers<[1], [0], [0], [1], [0, 0, 1, 1], [], []>, transpose_lhs_hint = false} : vector<128x4096xbf16>, vector<4096x8xbf16>, vector<128x8xf32> -> vector<128x8xf32>
    %swap3A_448 = arith.constant 0 : index
    %swap3A_449 = arith.constant 0 : index
    %swap3A_450 = arith.constant 13 : index
    %swap3A_451 = arith.constant 0 : index
    %swap3A_452 = vector.load %arg7[%swap3A_448, %swap3A_449, %swap3A_450, %swap3A_451] : memref<1x128x24x8xf32, #tpu.memory_space<vmem>>, vector<1x128x1x8xf32>
    %swap3A_453 = vector.shape_cast %swap3A_452 : vector<1x128x1x8xf32> to vector<128x8xf32>
    %swap3A_454 = vector.shape_cast %dot_general3A_447 : vector<128x8xf32> to vector<1x128x1x8xf32>
    tpu.vector_store %arg7[%swap3A_448, %swap3A_449, %swap3A_450, %swap3A_451], %swap3A_454 {strides = array<i32>} : memref<1x128x24x8xf32, #tpu.memory_space<vmem>>, vector<1x128x1x8xf32>,
    %add3A_455 = arith.addf %add3A_424, %dot_general3A_447 : vector<128x8xf32>
    %mul3A_456 = arith.mulf %dot_general3A_447, %dot_general3A_447 : vector<128x8xf32>
    %add3A_457 = arith.addf %add3A_426, %mul3A_456 : vector<128x8xf32>
    %reduce_min3A_458 = arith.constant dense<0x7F800000> : vector<128xf32>
    %reduce_min3A_459 = vector.multi_reduction <minimumf>, %select_n3A_442, %reduce_min3A_458 [1] : vector<128x4096xf32> to vector<128xf32>
    %broadcast_in_dim3A_460 = vector.shape_cast %reduce_min3A_459 : vector<128xf32> to vector<128x1xf32>
    %eq3A_461 = vector.broadcast %broadcast_in_dim3A_460 : vector<128x1xf32> to vector<128x4096xf32>
    %eq3A_462 = arith.cmpf oeq, %select_n3A_442, %eq3A_461 : vector<128x4096xf32>
    %jit3A_463 = arith.constant 4096 : i32
    %broadcast_in_dim3A_464 = vector.broadcast %jit3A_463 : i32 to vector<128x4096xi32>
    %select_n3A_465 = arith.select %eq3A_462, %iota3A, %broadcast_in_dim3A_464 : vector<128x4096xi1>, vector<128x4096xi32>
    %reduce_min3A_466 = arith.constant dense<2147483647> : vector<128xi32>
    %reduce_min3A_467 = vector.multi_reduction <minsi>, %select_n3A_465, %reduce_min3A_466 [1] : vector<128x4096xi32> to vector<128xi32>
    %broadcast_in_dim3A_468 = vector.shape_cast %reduce_min3A_467 : vector<128xi32> to vector<128x1xi32>
    %eq3A_469 = vector.broadcast %broadcast_in_dim3A_468 : vector<128x1xi32> to vector<128x4096xi32>
    %eq3A_470 = arith.cmpi eq, %iota3A, %eq3A_469 : vector<128x4096xi32>
    %jit3A_471 = arith.constant 0x7F800000 : f32
    %broadcast_in_dim3A_472 = vector.broadcast %jit3A_471 : f32 to vector<128x4096xf32>
    %select_n3A_473 = arith.select %eq3A_470, %broadcast_in_dim3A_472, %select_n3A_442 : vector<128x4096xi1>, vector<128x4096xf32>
    %convert_element_type3A_474 = arith.extui %eq3A_470 : vector<128x4096xi1> to vector<128x4096xi32>
    %convert_element_type3A_475 = arith.sitofp %convert_element_type3A_474 : vector<128x4096xi32> to vector<128x4096xf32>
    %convert_element_type3A_476 = arith.truncf %convert_element_type3A_475 : vector<128x4096xf32> to vector<128x4096xbf16>
    %dot_general3A_477 = arith.constant dense<0.000000e+00> : vector<128x8xf32>
    %dot_general3A_478 = tpu.matmul %convert_element_type3A_476, %convert_element_type3A, %dot_general3A_477 {dimension_numbers = #tpu.dot_dimension_numbers<[1], [0], [0], [1], [0, 0, 1, 1], [], []>, transpose_lhs_hint = false} : vector<128x4096xbf16>, vector<4096x8xbf16>, vector<128x8xf32> -> vector<128x8xf32>
    %swap3A_479 = arith.constant 0 : index
    %swap3A_480 = arith.constant 0 : index
    %swap3A_481 = arith.constant 14 : index
    %swap3A_482 = arith.constant 0 : index
    %swap3A_483 = vector.load %arg7[%swap3A_479, %swap3A_480, %swap3A_481, %swap3A_482] : memref<1x128x24x8xf32, #tpu.memory_space<vmem>>, vector<1x128x1x8xf32>
    %swap3A_484 = vector.shape_cast %swap3A_483 : vector<1x128x1x8xf32> to vector<128x8xf32>
    %swap3A_485 = vector.shape_cast %dot_general3A_478 : vector<128x8xf32> to vector<1x128x1x8xf32>
    tpu.vector_store %arg7[%swap3A_479, %swap3A_480, %swap3A_481, %swap3A_482], %swap3A_485 {strides = array<i32>} : memref<1x128x24x8xf32, #tpu.memory_space<vmem>>, vector<1x128x1x8xf32>,
    %add3A_486 = arith.addf %add3A_455, %dot_general3A_478 : vector<128x8xf32>
    %mul3A_487 = arith.mulf %dot_general3A_478, %dot_general3A_478 : vector<128x8xf32>
    %add3A_488 = arith.addf %add3A_457, %mul3A_487 : vector<128x8xf32>
    %reduce_min3A_489 = arith.constant dense<0x7F800000> : vector<128xf32>
    %reduce_min3A_490 = vector.multi_reduction <minimumf>, %select_n3A_473, %reduce_min3A_489 [1] : vector<128x4096xf32> to vector<128xf32>
    %broadcast_in_dim3A_491 = vector.shape_cast %reduce_min3A_490 : vector<128xf32> to vector<128x1xf32>
    %eq3A_492 = vector.broadcast %broadcast_in_dim3A_491 : vector<128x1xf32> to vector<128x4096xf32>
    %eq3A_493 = arith.cmpf oeq, %select_n3A_473, %eq3A_492 : vector<128x4096xf32>
    %jit3A_494 = arith.constant 4096 : i32
    %broadcast_in_dim3A_495 = vector.broadcast %jit3A_494 : i32 to vector<128x4096xi32>
    %select_n3A_496 = arith.select %eq3A_493, %iota3A, %broadcast_in_dim3A_495 : vector<128x4096xi1>, vector<128x4096xi32>
    %reduce_min3A_497 = arith.constant dense<2147483647> : vector<128xi32>
    %reduce_min3A_498 = vector.multi_reduction <minsi>, %select_n3A_496, %reduce_min3A_497 [1] : vector<128x4096xi32> to vector<128xi32>
    %broadcast_in_dim3A_499 = vector.shape_cast %reduce_min3A_498 : vector<128xi32> to vector<128x1xi32>
    %eq3A_500 = vector.broadcast %broadcast_in_dim3A_499 : vector<128x1xi32> to vector<128x4096xi32>
    %eq3A_501 = arith.cmpi eq, %iota3A, %eq3A_500 : vector<128x4096xi32>
    %jit3A_502 = arith.constant 0x7F800000 : f32
    %broadcast_in_dim3A_503 = vector.broadcast %jit3A_502 : f32 to vector<128x4096xf32>
    %select_n3A_504 = arith.select %eq3A_501, %broadcast_in_dim3A_503, %select_n3A_473 : vector<128x4096xi1>, vector<128x4096xf32>
    %convert_element_type3A_505 = arith.extui %eq3A_501 : vector<128x4096xi1> to vector<128x4096xi32>
    %convert_element_type3A_506 = arith.sitofp %convert_element_type3A_505 : vector<128x4096xi32> to vector<128x4096xf32>
    %convert_element_type3A_507 = arith.truncf %convert_element_type3A_506 : vector<128x4096xf32> to vector<128x4096xbf16>
    %dot_general3A_508 = arith.constant dense<0.000000e+00> : vector<128x8xf32>
    %dot_general3A_509 = tpu.matmul %convert_element_type3A_507, %convert_element_type3A, %dot_general3A_508 {dimension_numbers = #tpu.dot_dimension_numbers<[1], [0], [0], [1], [0, 0, 1, 1], [], []>, transpose_lhs_hint = false} : vector<128x4096xbf16>, vector<4096x8xbf16>, vector<128x8xf32> -> vector<128x8xf32>
    %swap3A_510 = arith.constant 0 : index
    %swap3A_511 = arith.constant 0 : index
    %swap3A_512 = arith.constant 15 : index
    %swap3A_513 = arith.constant 0 : index
    %swap3A_514 = vector.load %arg7[%swap3A_510, %swap3A_511, %swap3A_512, %swap3A_513] : memref<1x128x24x8xf32, #tpu.memory_space<vmem>>, vector<1x128x1x8xf32>
    %swap3A_515 = vector.shape_cast %swap3A_514 : vector<1x128x1x8xf32> to vector<128x8xf32>
    %swap3A_516 = vector.shape_cast %dot_general3A_509 : vector<128x8xf32> to vector<1x128x1x8xf32>
    tpu.vector_store %arg7[%swap3A_510, %swap3A_511, %swap3A_512, %swap3A_513], %swap3A_516 {strides = array<i32>} : memref<1x128x24x8xf32, #tpu.memory_space<vmem>>, vector<1x128x1x8xf32>,
    %add3A_517 = arith.addf %add3A_486, %dot_general3A_509 : vector<128x8xf32>
    %mul3A_518 = arith.mulf %dot_general3A_509, %dot_general3A_509 : vector<128x8xf32>
    %add3A_519 = arith.addf %add3A_488, %mul3A_518 : vector<128x8xf32>
    %reduce_min3A_520 = arith.constant dense<0x7F800000> : vector<128xf32>
    %reduce_min3A_521 = vector.multi_reduction <minimumf>, %select_n3A_504, %reduce_min3A_520 [1] : vector<128x4096xf32> to vector<128xf32>
    %broadcast_in_dim3A_522 = vector.shape_cast %reduce_min3A_521 : vector<128xf32> to vector<128x1xf32>
    %eq3A_523 = vector.broadcast %broadcast_in_dim3A_522 : vector<128x1xf32> to vector<128x4096xf32>
    %eq3A_524 = arith.cmpf oeq, %select_n3A_504, %eq3A_523 : vector<128x4096xf32>
    %jit3A_525 = arith.constant 4096 : i32
    %broadcast_in_dim3A_526 = vector.broadcast %jit3A_525 : i32 to vector<128x4096xi32>
    %select_n3A_527 = arith.select %eq3A_524, %iota3A, %broadcast_in_dim3A_526 : vector<128x4096xi1>, vector<128x4096xi32>
    %reduce_min3A_528 = arith.constant dense<2147483647> : vector<128xi32>
    %reduce_min3A_529 = vector.multi_reduction <minsi>, %select_n3A_527, %reduce_min3A_528 [1] : vector<128x4096xi32> to vector<128xi32>
    %broadcast_in_dim3A_530 = vector.shape_cast %reduce_min3A_529 : vector<128xi32> to vector<128x1xi32>
    %eq3A_531 = vector.broadcast %broadcast_in_dim3A_530 : vector<128x1xi32> to vector<128x4096xi32>
    %eq3A_532 = arith.cmpi eq, %iota3A, %eq3A_531 : vector<128x4096xi32>
    %jit3A_533 = arith.constant 0x7F800000 : f32
    %broadcast_in_dim3A_534 = vector.broadcast %jit3A_533 : f32 to vector<128x4096xf32>
    %select_n3A_535 = arith.select %eq3A_532, %broadcast_in_dim3A_534, %select_n3A_504 : vector<128x4096xi1>, vector<128x4096xf32>
    %convert_element_type3A_536 = arith.extui %eq3A_532 : vector<128x4096xi1> to vector<128x4096xi32>
    %convert_element_type3A_537 = arith.sitofp %convert_element_type3A_536 : vector<128x4096xi32> to vector<128x4096xf32>
    %convert_element_type3A_538 = arith.truncf %convert_element_type3A_537 : vector<128x4096xf32> to vector<128x4096xbf16>
    %dot_general3A_539 = arith.constant dense<0.000000e+00> : vector<128x8xf32>
    %dot_general3A_540 = tpu.matmul %convert_element_type3A_538, %convert_element_type3A, %dot_general3A_539 {dimension_numbers = #tpu.dot_dimension_numbers<[1], [0], [0], [1], [0, 0, 1, 1], [], []>, transpose_lhs_hint = false} : vector<128x4096xbf16>, vector<4096x8xbf16>, vector<128x8xf32> -> vector<128x8xf32>
    %swap3A_541 = arith.constant 0 : index
    %swap3A_542 = arith.constant 0 : index
    %swap3A_543 = arith.constant 16 : index
    %swap3A_544 = arith.constant 0 : index
    %swap3A_545 = vector.load %arg7[%swap3A_541, %swap3A_542, %swap3A_543, %swap3A_544] : memref<1x128x24x8xf32, #tpu.memory_space<vmem>>, vector<1x128x1x8xf32>
    %swap3A_546 = vector.shape_cast %swap3A_545 : vector<1x128x1x8xf32> to vector<128x8xf32>
    %swap3A_547 = vector.shape_cast %dot_general3A_540 : vector<128x8xf32> to vector<1x128x1x8xf32>
    tpu.vector_store %arg7[%swap3A_541, %swap3A_542, %swap3A_543, %swap3A_544], %swap3A_547 {strides = array<i32>} : memref<1x128x24x8xf32, #tpu.memory_space<vmem>>, vector<1x128x1x8xf32>,
    %add3A_548 = arith.addf %add3A_517, %dot_general3A_540 : vector<128x8xf32>
    %mul3A_549 = arith.mulf %dot_general3A_540, %dot_general3A_540 : vector<128x8xf32>
    %add3A_550 = arith.addf %add3A_519, %mul3A_549 : vector<128x8xf32>
    %reduce_min3A_551 = arith.constant dense<0x7F800000> : vector<128xf32>
    %reduce_min3A_552 = vector.multi_reduction <minimumf>, %select_n3A_535, %reduce_min3A_551 [1] : vector<128x4096xf32> to vector<128xf32>
    %broadcast_in_dim3A_553 = vector.shape_cast %reduce_min3A_552 : vector<128xf32> to vector<128x1xf32>
    %eq3A_554 = vector.broadcast %broadcast_in_dim3A_553 : vector<128x1xf32> to vector<128x4096xf32>
    %eq3A_555 = arith.cmpf oeq, %select_n3A_535, %eq3A_554 : vector<128x4096xf32>
    %jit3A_556 = arith.constant 4096 : i32
    %broadcast_in_dim3A_557 = vector.broadcast %jit3A_556 : i32 to vector<128x4096xi32>
    %select_n3A_558 = arith.select %eq3A_555, %iota3A, %broadcast_in_dim3A_557 : vector<128x4096xi1>, vector<128x4096xi32>
    %reduce_min3A_559 = arith.constant dense<2147483647> : vector<128xi32>
    %reduce_min3A_560 = vector.multi_reduction <minsi>, %select_n3A_558, %reduce_min3A_559 [1] : vector<128x4096xi32> to vector<128xi32>
    %broadcast_in_dim3A_561 = vector.shape_cast %reduce_min3A_560 : vector<128xi32> to vector<128x1xi32>
    %eq3A_562 = vector.broadcast %broadcast_in_dim3A_561 : vector<128x1xi32> to vector<128x4096xi32>
    %eq3A_563 = arith.cmpi eq, %iota3A, %eq3A_562 : vector<128x4096xi32>
    %jit3A_564 = arith.constant 0x7F800000 : f32
    %broadcast_in_dim3A_565 = vector.broadcast %jit3A_564 : f32 to vector<128x4096xf32>
    %select_n3A_566 = arith.select %eq3A_563, %broadcast_in_dim3A_565, %select_n3A_535 : vector<128x4096xi1>, vector<128x4096xf32>
    %convert_element_type3A_567 = arith.extui %eq3A_563 : vector<128x4096xi1> to vector<128x4096xi32>
    %convert_element_type3A_568 = arith.sitofp %convert_element_type3A_567 : vector<128x4096xi32> to vector<128x4096xf32>
    %convert_element_type3A_569 = arith.truncf %convert_element_type3A_568 : vector<128x4096xf32> to vector<128x4096xbf16>
    %dot_general3A_570 = arith.constant dense<0.000000e+00> : vector<128x8xf32>
    %dot_general3A_571 = tpu.matmul %convert_element_type3A_569, %convert_element_type3A, %dot_general3A_570 {dimension_numbers = #tpu.dot_dimension_numbers<[1], [0], [0], [1], [0, 0, 1, 1], [], []>, transpose_lhs_hint = false} : vector<128x4096xbf16>, vector<4096x8xbf16>, vector<128x8xf32> -> vector<128x8xf32>
    %swap3A_572 = arith.constant 0 : index
    %swap3A_573 = arith.constant 0 : index
    %swap3A_574 = arith.constant 17 : index
    %swap3A_575 = arith.constant 0 : index
    %swap3A_576 = vector.load %arg7[%swap3A_572, %swap3A_573, %swap3A_574, %swap3A_575] : memref<1x128x24x8xf32, #tpu.memory_space<vmem>>, vector<1x128x1x8xf32>
    %swap3A_577 = vector.shape_cast %swap3A_576 : vector<1x128x1x8xf32> to vector<128x8xf32>
    %swap3A_578 = vector.shape_cast %dot_general3A_571 : vector<128x8xf32> to vector<1x128x1x8xf32>
    tpu.vector_store %arg7[%swap3A_572, %swap3A_573, %swap3A_574, %swap3A_575], %swap3A_578 {strides = array<i32>} : memref<1x128x24x8xf32, #tpu.memory_space<vmem>>, vector<1x128x1x8xf32>,
    %add3A_579 = arith.addf %add3A_548, %dot_general3A_571 : vector<128x8xf32>
    %mul3A_580 = arith.mulf %dot_general3A_571, %dot_general3A_571 : vector<128x8xf32>
    %add3A_581 = arith.addf %add3A_550, %mul3A_580 : vector<128x8xf32>
    %reduce_min3A_582 = arith.constant dense<0x7F800000> : vector<128xf32>
    %reduce_min3A_583 = vector.multi_reduction <minimumf>, %select_n3A_566, %reduce_min3A_582 [1] : vector<128x4096xf32> to vector<128xf32>
    %broadcast_in_dim3A_584 = vector.shape_cast %reduce_min3A_583 : vector<128xf32> to vector<128x1xf32>
    %eq3A_585 = vector.broadcast %broadcast_in_dim3A_584 : vector<128x1xf32> to vector<128x4096xf32>
    %eq3A_586 = arith.cmpf oeq, %select_n3A_566, %eq3A_585 : vector<128x4096xf32>
    %jit3A_587 = arith.constant 4096 : i32
    %broadcast_in_dim3A_588 = vector.broadcast %jit3A_587 : i32 to vector<128x4096xi32>
    %select_n3A_589 = arith.select %eq3A_586, %iota3A, %broadcast_in_dim3A_588 : vector<128x4096xi1>, vector<128x4096xi32>
    %reduce_min3A_590 = arith.constant dense<2147483647> : vector<128xi32>
    %reduce_min3A_591 = vector.multi_reduction <minsi>, %select_n3A_589, %reduce_min3A_590 [1] : vector<128x4096xi32> to vector<128xi32>
    %broadcast_in_dim3A_592 = vector.shape_cast %reduce_min3A_591 : vector<128xi32> to vector<128x1xi32>
    %eq3A_593 = vector.broadcast %broadcast_in_dim3A_592 : vector<128x1xi32> to vector<128x4096xi32>
    %eq3A_594 = arith.cmpi eq, %iota3A, %eq3A_593 : vector<128x4096xi32>
    %jit3A_595 = arith.constant 0x7F800000 : f32
    %broadcast_in_dim3A_596 = vector.broadcast %jit3A_595 : f32 to vector<128x4096xf32>
    %select_n3A_597 = arith.select %eq3A_594, %broadcast_in_dim3A_596, %select_n3A_566 : vector<128x4096xi1>, vector<128x4096xf32>
    %convert_element_type3A_598 = arith.extui %eq3A_594 : vector<128x4096xi1> to vector<128x4096xi32>
    %convert_element_type3A_599 = arith.sitofp %convert_element_type3A_598 : vector<128x4096xi32> to vector<128x4096xf32>
    %convert_element_type3A_600 = arith.truncf %convert_element_type3A_599 : vector<128x4096xf32> to vector<128x4096xbf16>
    %dot_general3A_601 = arith.constant dense<0.000000e+00> : vector<128x8xf32>
    %dot_general3A_602 = tpu.matmul %convert_element_type3A_600, %convert_element_type3A, %dot_general3A_601 {dimension_numbers = #tpu.dot_dimension_numbers<[1], [0], [0], [1], [0, 0, 1, 1], [], []>, transpose_lhs_hint = false} : vector<128x4096xbf16>, vector<4096x8xbf16>, vector<128x8xf32> -> vector<128x8xf32>
    %swap3A_603 = arith.constant 0 : index
    %swap3A_604 = arith.constant 0 : index
    %swap3A_605 = arith.constant 18 : index
    %swap3A_606 = arith.constant 0 : index
    %swap3A_607 = vector.load %arg7[%swap3A_603, %swap3A_604, %swap3A_605, %swap3A_606] : memref<1x128x24x8xf32, #tpu.memory_space<vmem>>, vector<1x128x1x8xf32>
    %swap3A_608 = vector.shape_cast %swap3A_607 : vector<1x128x1x8xf32> to vector<128x8xf32>
    %swap3A_609 = vector.shape_cast %dot_general3A_602 : vector<128x8xf32> to vector<1x128x1x8xf32>
    tpu.vector_store %arg7[%swap3A_603, %swap3A_604, %swap3A_605, %swap3A_606], %swap3A_609 {strides = array<i32>} : memref<1x128x24x8xf32, #tpu.memory_space<vmem>>, vector<1x128x1x8xf32>,
    %add3A_610 = arith.addf %add3A_579, %dot_general3A_602 : vector<128x8xf32>
    %mul3A_611 = arith.mulf %dot_general3A_602, %dot_general3A_602 : vector<128x8xf32>
    %add3A_612 = arith.addf %add3A_581, %mul3A_611 : vector<128x8xf32>
    %reduce_min3A_613 = arith.constant dense<0x7F800000> : vector<128xf32>
    %reduce_min3A_614 = vector.multi_reduction <minimumf>, %select_n3A_597, %reduce_min3A_613 [1] : vector<128x4096xf32> to vector<128xf32>
    %broadcast_in_dim3A_615 = vector.shape_cast %reduce_min3A_614 : vector<128xf32> to vector<128x1xf32>
    %eq3A_616 = vector.broadcast %broadcast_in_dim3A_615 : vector<128x1xf32> to vector<128x4096xf32>
    %eq3A_617 = arith.cmpf oeq, %select_n3A_597, %eq3A_616 : vector<128x4096xf32>
    %jit3A_618 = arith.constant 4096 : i32
    %broadcast_in_dim3A_619 = vector.broadcast %jit3A_618 : i32 to vector<128x4096xi32>
    %select_n3A_620 = arith.select %eq3A_617, %iota3A, %broadcast_in_dim3A_619 : vector<128x4096xi1>, vector<128x4096xi32>
    %reduce_min3A_621 = arith.constant dense<2147483647> : vector<128xi32>
    %reduce_min3A_622 = vector.multi_reduction <minsi>, %select_n3A_620, %reduce_min3A_621 [1] : vector<128x4096xi32> to vector<128xi32>
    %broadcast_in_dim3A_623 = vector.shape_cast %reduce_min3A_622 : vector<128xi32> to vector<128x1xi32>
    %eq3A_624 = vector.broadcast %broadcast_in_dim3A_623 : vector<128x1xi32> to vector<128x4096xi32>
    %eq3A_625 = arith.cmpi eq, %iota3A, %eq3A_624 : vector<128x4096xi32>
    %jit3A_626 = arith.constant 0x7F800000 : f32
    %broadcast_in_dim3A_627 = vector.broadcast %jit3A_626 : f32 to vector<128x4096xf32>
    %select_n3A_628 = arith.select %eq3A_625, %broadcast_in_dim3A_627, %select_n3A_597 : vector<128x4096xi1>, vector<128x4096xf32>
    %convert_element_type3A_629 = arith.extui %eq3A_625 : vector<128x4096xi1> to vector<128x4096xi32>
    %convert_element_type3A_630 = arith.sitofp %convert_element_type3A_629 : vector<128x4096xi32> to vector<128x4096xf32>
    %convert_element_type3A_631 = arith.truncf %convert_element_type3A_630 : vector<128x4096xf32> to vector<128x4096xbf16>
    %dot_general3A_632 = arith.constant dense<0.000000e+00> : vector<128x8xf32>
    %dot_general3A_633 = tpu.matmul %convert_element_type3A_631, %convert_element_type3A, %dot_general3A_632 {dimension_numbers = #tpu.dot_dimension_numbers<[1], [0], [0], [1], [0, 0, 1, 1], [], []>, transpose_lhs_hint = false} : vector<128x4096xbf16>, vector<4096x8xbf16>, vector<128x8xf32> -> vector<128x8xf32>
    %swap3A_634 = arith.constant 0 : index
    %swap3A_635 = arith.constant 0 : index
    %swap3A_636 = arith.constant 19 : index
    %swap3A_637 = arith.constant 0 : index
    %swap3A_638 = vector.load %arg7[%swap3A_634, %swap3A_635, %swap3A_636, %swap3A_637] : memref<1x128x24x8xf32, #tpu.memory_space<vmem>>, vector<1x128x1x8xf32>
    %swap3A_639 = vector.shape_cast %swap3A_638 : vector<1x128x1x8xf32> to vector<128x8xf32>
    %swap3A_640 = vector.shape_cast %dot_general3A_633 : vector<128x8xf32> to vector<1x128x1x8xf32>
    tpu.vector_store %arg7[%swap3A_634, %swap3A_635, %swap3A_636, %swap3A_637], %swap3A_640 {strides = array<i32>} : memref<1x128x24x8xf32, #tpu.memory_space<vmem>>, vector<1x128x1x8xf32>,
    %add3A_641 = arith.addf %add3A_610, %dot_general3A_633 : vector<128x8xf32>
    %mul3A_642 = arith.mulf %dot_general3A_633, %dot_general3A_633 : vector<128x8xf32>
    %add3A_643 = arith.addf %add3A_612, %mul3A_642 : vector<128x8xf32>
    %reduce_min3A_644 = arith.constant dense<0x7F800000> : vector<128xf32>
    %reduce_min3A_645 = vector.multi_reduction <minimumf>, %select_n3A_628, %reduce_min3A_644 [1] : vector<128x4096xf32> to vector<128xf32>
    %broadcast_in_dim3A_646 = vector.shape_cast %reduce_min3A_645 : vector<128xf32> to vector<128x1xf32>
    %eq3A_647 = vector.broadcast %broadcast_in_dim3A_646 : vector<128x1xf32> to vector<128x4096xf32>
    %eq3A_648 = arith.cmpf oeq, %select_n3A_628, %eq3A_647 : vector<128x4096xf32>
    %jit3A_649 = arith.constant 4096 : i32
    %broadcast_in_dim3A_650 = vector.broadcast %jit3A_649 : i32 to vector<128x4096xi32>
    %select_n3A_651 = arith.select %eq3A_648, %iota3A, %broadcast_in_dim3A_650 : vector<128x4096xi1>, vector<128x4096xi32>
    %reduce_min3A_652 = arith.constant dense<2147483647> : vector<128xi32>
    %reduce_min3A_653 = vector.multi_reduction <minsi>, %select_n3A_651, %reduce_min3A_652 [1] : vector<128x4096xi32> to vector<128xi32>
    %broadcast_in_dim3A_654 = vector.shape_cast %reduce_min3A_653 : vector<128xi32> to vector<128x1xi32>
    %eq3A_655 = vector.broadcast %broadcast_in_dim3A_654 : vector<128x1xi32> to vector<128x4096xi32>
    %eq3A_656 = arith.cmpi eq, %iota3A, %eq3A_655 : vector<128x4096xi32>
    %jit3A_657 = arith.constant 0x7F800000 : f32
    %broadcast_in_dim3A_658 = vector.broadcast %jit3A_657 : f32 to vector<128x4096xf32>
    %select_n3A_659 = arith.select %eq3A_656, %broadcast_in_dim3A_658, %select_n3A_628 : vector<128x4096xi1>, vector<128x4096xf32>
    %convert_element_type3A_660 = arith.extui %eq3A_656 : vector<128x4096xi1> to vector<128x4096xi32>
    %convert_element_type3A_661 = arith.sitofp %convert_element_type3A_660 : vector<128x4096xi32> to vector<128x4096xf32>
    %convert_element_type3A_662 = arith.truncf %convert_element_type3A_661 : vector<128x4096xf32> to vector<128x4096xbf16>
    %dot_general3A_663 = arith.constant dense<0.000000e+00> : vector<128x8xf32>
    %dot_general3A_664 = tpu.matmul %convert_element_type3A_662, %convert_element_type3A, %dot_general3A_663 {dimension_numbers = #tpu.dot_dimension_numbers<[1], [0], [0], [1], [0, 0, 1, 1], [], []>, transpose_lhs_hint = false} : vector<128x4096xbf16>, vector<4096x8xbf16>, vector<128x8xf32> -> vector<128x8xf32>
    %swap3A_665 = arith.constant 0 : index
    %swap3A_666 = arith.constant 0 : index
    %swap3A_667 = arith.constant 20 : index
    %swap3A_668 = arith.constant 0 : index
    %swap3A_669 = vector.load %arg7[%swap3A_665, %swap3A_666, %swap3A_667, %swap3A_668] : memref<1x128x24x8xf32, #tpu.memory_space<vmem>>, vector<1x128x1x8xf32>
    %swap3A_670 = vector.shape_cast %swap3A_669 : vector<1x128x1x8xf32> to vector<128x8xf32>
    %swap3A_671 = vector.shape_cast %dot_general3A_664 : vector<128x8xf32> to vector<1x128x1x8xf32>
    tpu.vector_store %arg7[%swap3A_665, %swap3A_666, %swap3A_667, %swap3A_668], %swap3A_671 {strides = array<i32>} : memref<1x128x24x8xf32, #tpu.memory_space<vmem>>, vector<1x128x1x8xf32>,
    %add3A_672 = arith.addf %add3A_641, %dot_general3A_664 : vector<128x8xf32>
    %mul3A_673 = arith.mulf %dot_general3A_664, %dot_general3A_664 : vector<128x8xf32>
    %add3A_674 = arith.addf %add3A_643, %mul3A_673 : vector<128x8xf32>
    %reduce_min3A_675 = arith.constant dense<0x7F800000> : vector<128xf32>
    %reduce_min3A_676 = vector.multi_reduction <minimumf>, %select_n3A_659, %reduce_min3A_675 [1] : vector<128x4096xf32> to vector<128xf32>
    %broadcast_in_dim3A_677 = vector.shape_cast %reduce_min3A_676 : vector<128xf32> to vector<128x1xf32>
    %eq3A_678 = vector.broadcast %broadcast_in_dim3A_677 : vector<128x1xf32> to vector<128x4096xf32>
    %eq3A_679 = arith.cmpf oeq, %select_n3A_659, %eq3A_678 : vector<128x4096xf32>
    %jit3A_680 = arith.constant 4096 : i32
    %broadcast_in_dim3A_681 = vector.broadcast %jit3A_680 : i32 to vector<128x4096xi32>
    %select_n3A_682 = arith.select %eq3A_679, %iota3A, %broadcast_in_dim3A_681 : vector<128x4096xi1>, vector<128x4096xi32>
    %reduce_min3A_683 = arith.constant dense<2147483647> : vector<128xi32>
    %reduce_min3A_684 = vector.multi_reduction <minsi>, %select_n3A_682, %reduce_min3A_683 [1] : vector<128x4096xi32> to vector<128xi32>
    %broadcast_in_dim3A_685 = vector.shape_cast %reduce_min3A_684 : vector<128xi32> to vector<128x1xi32>
    %eq3A_686 = vector.broadcast %broadcast_in_dim3A_685 : vector<128x1xi32> to vector<128x4096xi32>
    %eq3A_687 = arith.cmpi eq, %iota3A, %eq3A_686 : vector<128x4096xi32>
    %jit3A_688 = arith.constant 0x7F800000 : f32
    %broadcast_in_dim3A_689 = vector.broadcast %jit3A_688 : f32 to vector<128x4096xf32>
    %select_n3A_690 = arith.select %eq3A_687, %broadcast_in_dim3A_689, %select_n3A_659 : vector<128x4096xi1>, vector<128x4096xf32>
    %convert_element_type3A_691 = arith.extui %eq3A_687 : vector<128x4096xi1> to vector<128x4096xi32>
    %convert_element_type3A_692 = arith.sitofp %convert_element_type3A_691 : vector<128x4096xi32> to vector<128x4096xf32>
    %convert_element_type3A_693 = arith.truncf %convert_element_type3A_692 : vector<128x4096xf32> to vector<128x4096xbf16>
    %dot_general3A_694 = arith.constant dense<0.000000e+00> : vector<128x8xf32>
    %dot_general3A_695 = tpu.matmul %convert_element_type3A_693, %convert_element_type3A, %dot_general3A_694 {dimension_numbers = #tpu.dot_dimension_numbers<[1], [0], [0], [1], [0, 0, 1, 1], [], []>, transpose_lhs_hint = false} : vector<128x4096xbf16>, vector<4096x8xbf16>, vector<128x8xf32> -> vector<128x8xf32>
    %swap3A_696 = arith.constant 0 : index
    %swap3A_697 = arith.constant 0 : index
    %swap3A_698 = arith.constant 21 : index
    %swap3A_699 = arith.constant 0 : index
    %swap3A_700 = vector.load %arg7[%swap3A_696, %swap3A_697, %swap3A_698, %swap3A_699] : memref<1x128x24x8xf32, #tpu.memory_space<vmem>>, vector<1x128x1x8xf32>
    %swap3A_701 = vector.shape_cast %swap3A_700 : vector<1x128x1x8xf32> to vector<128x8xf32>
    %swap3A_702 = vector.shape_cast %dot_general3A_695 : vector<128x8xf32> to vector<1x128x1x8xf32>
    tpu.vector_store %arg7[%swap3A_696, %swap3A_697, %swap3A_698, %swap3A_699], %swap3A_702 {strides = array<i32>} : memref<1x128x24x8xf32, #tpu.memory_space<vmem>>, vector<1x128x1x8xf32>,
    %add3A_703 = arith.addf %add3A_672, %dot_general3A_695 : vector<128x8xf32>
    %mul3A_704 = arith.mulf %dot_general3A_695, %dot_general3A_695 : vector<128x8xf32>
    %add3A_705 = arith.addf %add3A_674, %mul3A_704 : vector<128x8xf32>
    %reduce_min3A_706 = arith.constant dense<0x7F800000> : vector<128xf32>
    %reduce_min3A_707 = vector.multi_reduction <minimumf>, %select_n3A_690, %reduce_min3A_706 [1] : vector<128x4096xf32> to vector<128xf32>
    %broadcast_in_dim3A_708 = vector.shape_cast %reduce_min3A_707 : vector<128xf32> to vector<128x1xf32>
    %eq3A_709 = vector.broadcast %broadcast_in_dim3A_708 : vector<128x1xf32> to vector<128x4096xf32>
    %eq3A_710 = arith.cmpf oeq, %select_n3A_690, %eq3A_709 : vector<128x4096xf32>
    %jit3A_711 = arith.constant 4096 : i32
    %broadcast_in_dim3A_712 = vector.broadcast %jit3A_711 : i32 to vector<128x4096xi32>
    %select_n3A_713 = arith.select %eq3A_710, %iota3A, %broadcast_in_dim3A_712 : vector<128x4096xi1>, vector<128x4096xi32>
    %reduce_min3A_714 = arith.constant dense<2147483647> : vector<128xi32>
    %reduce_min3A_715 = vector.multi_reduction <minsi>, %select_n3A_713, %reduce_min3A_714 [1] : vector<128x4096xi32> to vector<128xi32>
    %broadcast_in_dim3A_716 = vector.shape_cast %reduce_min3A_715 : vector<128xi32> to vector<128x1xi32>
    %eq3A_717 = vector.broadcast %broadcast_in_dim3A_716 : vector<128x1xi32> to vector<128x4096xi32>
    %eq3A_718 = arith.cmpi eq, %iota3A, %eq3A_717 : vector<128x4096xi32>
    %jit3A_719 = arith.constant 0x7F800000 : f32
    %broadcast_in_dim3A_720 = vector.broadcast %jit3A_719 : f32 to vector<128x4096xf32>
    %select_n3A_721 = arith.select %eq3A_718, %broadcast_in_dim3A_720, %select_n3A_690 : vector<128x4096xi1>, vector<128x4096xf32>
    %convert_element_type3A_722 = arith.extui %eq3A_718 : vector<128x4096xi1> to vector<128x4096xi32>
    %convert_element_type3A_723 = arith.sitofp %convert_element_type3A_722 : vector<128x4096xi32> to vector<128x4096xf32>
    %convert_element_type3A_724 = arith.truncf %convert_element_type3A_723 : vector<128x4096xf32> to vector<128x4096xbf16>
    %dot_general3A_725 = arith.constant dense<0.000000e+00> : vector<128x8xf32>
    %dot_general3A_726 = tpu.matmul %convert_element_type3A_724, %convert_element_type3A, %dot_general3A_725 {dimension_numbers = #tpu.dot_dimension_numbers<[1], [0], [0], [1], [0, 0, 1, 1], [], []>, transpose_lhs_hint = false} : vector<128x4096xbf16>, vector<4096x8xbf16>, vector<128x8xf32> -> vector<128x8xf32>
    %swap3A_727 = arith.constant 0 : index
    %swap3A_728 = arith.constant 0 : index
    %swap3A_729 = arith.constant 22 : index
    %swap3A_730 = arith.constant 0 : index
    %swap3A_731 = vector.load %arg7[%swap3A_727, %swap3A_728, %swap3A_729, %swap3A_730] : memref<1x128x24x8xf32, #tpu.memory_space<vmem>>, vector<1x128x1x8xf32>
    %swap3A_732 = vector.shape_cast %swap3A_731 : vector<1x128x1x8xf32> to vector<128x8xf32>
    %swap3A_733 = vector.shape_cast %dot_general3A_726 : vector<128x8xf32> to vector<1x128x1x8xf32>
    tpu.vector_store %arg7[%swap3A_727, %swap3A_728, %swap3A_729, %swap3A_730], %swap3A_733 {strides = array<i32>} : memref<1x128x24x8xf32, #tpu.memory_space<vmem>>, vector<1x128x1x8xf32>,
    %add3A_734 = arith.addf %add3A_703, %dot_general3A_726 : vector<128x8xf32>
    %mul3A_735 = arith.mulf %dot_general3A_726, %dot_general3A_726 : vector<128x8xf32>
    %add3A_736 = arith.addf %add3A_705, %mul3A_735 : vector<128x8xf32>
    %reduce_min3A_737 = arith.constant dense<0x7F800000> : vector<128xf32>
    %reduce_min3A_738 = vector.multi_reduction <minimumf>, %select_n3A_721, %reduce_min3A_737 [1] : vector<128x4096xf32> to vector<128xf32>
    %broadcast_in_dim3A_739 = vector.shape_cast %reduce_min3A_738 : vector<128xf32> to vector<128x1xf32>
    %eq3A_740 = vector.broadcast %broadcast_in_dim3A_739 : vector<128x1xf32> to vector<128x4096xf32>
    %eq3A_741 = arith.cmpf oeq, %select_n3A_721, %eq3A_740 : vector<128x4096xf32>
    %jit3A_742 = arith.constant 4096 : i32
    %broadcast_in_dim3A_743 = vector.broadcast %jit3A_742 : i32 to vector<128x4096xi32>
    %select_n3A_744 = arith.select %eq3A_741, %iota3A, %broadcast_in_dim3A_743 : vector<128x4096xi1>, vector<128x4096xi32>
    %reduce_min3A_745 = arith.constant dense<2147483647> : vector<128xi32>
    %reduce_min3A_746 = vector.multi_reduction <minsi>, %select_n3A_744, %reduce_min3A_745 [1] : vector<128x4096xi32> to vector<128xi32>
    %broadcast_in_dim3A_747 = vector.shape_cast %reduce_min3A_746 : vector<128xi32> to vector<128x1xi32>
    %eq3A_748 = vector.broadcast %broadcast_in_dim3A_747 : vector<128x1xi32> to vector<128x4096xi32>
    %eq3A_749 = arith.cmpi eq, %iota3A, %eq3A_748 : vector<128x4096xi32>
    %jit3A_750 = arith.constant 0x7F800000 : f32
    %broadcast_in_dim3A_751 = vector.broadcast %jit3A_750 : f32 to vector<128x4096xf32>
    %select_n3A_752 = arith.select %eq3A_749, %broadcast_in_dim3A_751, %select_n3A_721 : vector<128x4096xi1>, vector<128x4096xf32>
    %convert_element_type3A_753 = arith.extui %eq3A_749 : vector<128x4096xi1> to vector<128x4096xi32>
    %convert_element_type3A_754 = arith.sitofp %convert_element_type3A_753 : vector<128x4096xi32> to vector<128x4096xf32>
    %convert_element_type3A_755 = arith.truncf %convert_element_type3A_754 : vector<128x4096xf32> to vector<128x4096xbf16>
    %dot_general3A_756 = arith.constant dense<0.000000e+00> : vector<128x8xf32>
    %dot_general3A_757 = tpu.matmul %convert_element_type3A_755, %convert_element_type3A, %dot_general3A_756 {dimension_numbers = #tpu.dot_dimension_numbers<[1], [0], [0], [1], [0, 0, 1, 1], [], []>, transpose_lhs_hint = false} : vector<128x4096xbf16>, vector<4096x8xbf16>, vector<128x8xf32> -> vector<128x8xf32>
    %swap3A_758 = arith.constant 0 : index
    %swap3A_759 = arith.constant 0 : index
    %swap3A_760 = arith.constant 23 : index
    %swap3A_761 = arith.constant 0 : index
    %swap3A_762 = vector.load %arg7[%swap3A_758, %swap3A_759, %swap3A_760, %swap3A_761] : memref<1x128x24x8xf32, #tpu.memory_space<vmem>>, vector<1x128x1x8xf32>
    %swap3A_763 = vector.shape_cast %swap3A_762 : vector<1x128x1x8xf32> to vector<128x8xf32>
    %swap3A_764 = vector.shape_cast %dot_general3A_757 : vector<128x8xf32> to vector<1x128x1x8xf32>
    tpu.vector_store %arg7[%swap3A_758, %swap3A_759, %swap3A_760, %swap3A_761], %swap3A_764 {strides = array<i32>} : memref<1x128x24x8xf32, #tpu.memory_space<vmem>>, vector<1x128x1x8xf32>,
    %add3A_765 = arith.addf %add3A_734, %dot_general3A_757 : vector<128x8xf32>
    %mul3A_766 = arith.mulf %dot_general3A_757, %dot_general3A_757 : vector<128x8xf32>
    %add3A_767 = arith.addf %add3A_736, %mul3A_766 : vector<128x8xf32>
    %concatenate3A = tpu.concatenate %broadcast_in_dim3A_35, %broadcast_in_dim3A_65, %broadcast_in_dim3A_96, %broadcast_in_dim3A_127, %broadcast_in_dim3A_158, %broadcast_in_dim3A_189, %broadcast_in_dim3A_220, %broadcast_in_dim3A_251, %broadcast_in_dim3A_282, %broadcast_in_dim3A_313, %broadcast_in_dim3A_344, %broadcast_in_dim3A_375, %broadcast_in_dim3A_406, %broadcast_in_dim3A_437, %broadcast_in_dim3A_468, %broadcast_in_dim3A_499, %broadcast_in_dim3A_530, %broadcast_in_dim3A_561, %broadcast_in_dim3A_592, %broadcast_in_dim3A_623, %broadcast_in_dim3A_654, %broadcast_in_dim3A_685, %broadcast_in_dim3A_716, %broadcast_in_dim3A_747 in 1 : vector<128x1xi32>, vector<128x1xi32>, vector<128x1xi32>, vector<128x1xi32>, vector<128x1xi32>, vector<128x1xi32>, vector<128x1xi32>, vector<128x1xi32>, vector<128x1xi32>, vector<128x1xi32>, vector<128x1xi32>, vector<128x1xi32>, vector<128x1xi32>, vector<128x1xi32>, vector<128x1xi32>, vector<128x1xi32>, vector<128x1xi32>, vector<128x1xi32>, vector<128x1xi32>, vector<128x1xi32>, vector<128x1xi32>, vector<128x1xi32>, vector<128x1xi32>, vector<128x1xi32> -> vector<128x24xi32>
    %mul3A_768 = arith.constant 4096 : i32
    %mul3A_769 = arith.muli %arg0, %mul3A_768 : i32
    %add3A_770 = vector.broadcast %mul3A_769 : i32 to vector<128x24xi32>
    %add3A_771 = arith.addi %concatenate3A, %add3A_770 : vector<128x24xi32>
    %swap3A_772 = arith.constant 0 : index
    %swap3A_773 = arith.constant 0 : index
    %swap3A_774 = arith.constant 0 : index
    %swap3A_775 = vector.load %arg6[%swap3A_772, %swap3A_773, %swap3A_774] : memref<1x128x24xi32, #tpu.memory_space<vmem>>, vector<1x128x24xi32>
    %swap3A_776 = vector.shape_cast %swap3A_775 : vector<1x128x24xi32> to vector<128x24xi32>
    %swap3A_777 = vector.shape_cast %add3A_771 : vector<128x24xi32> to vector<1x128x24xi32>
    tpu.vector_store %arg6[%swap3A_772, %swap3A_773, %swap3A_774], %swap3A_777 {strides = array<i32>} : memref<1x128x24xi32, #tpu.memory_space<vmem>>, vector<1x128x24xi32>,
    %eq3A_778 = arith.constant 0x7F800000 : f32
    %eq3A_779 = vector.broadcast %eq3A_778 : f32 to vector<128x4096xf32>
    %eq3A_780 = arith.cmpf oeq, %select_n3A_752, %eq3A_779 : vector<128x4096xf32>
    %convert_element_type3A_781 = arith.extui %eq3A_780 : vector<128x4096xi1> to vector<128x4096xi32>
    %convert_element_type3A_782 = arith.sitofp %convert_element_type3A_781 : vector<128x4096xi32> to vector<128x4096xf32>
    %get3A_783 = arith.constant 0 : index
    %get3A_784 = arith.constant 0 : index
    %get3A_785 = arith.constant 0 : index
    %get3A_786 = vector.load %arg5[%get3A_783, %get3A_784, %get3A_785] : memref<1x4096x128xf32, #tpu.memory_space<vmem>>, vector<1x4096x128xf32>
    %get3A_787 = vector.shape_cast %get3A_786 : vector<1x4096x128xf32> to vector<4096x128xf32>
    %dot_general3A_788 = arith.constant dense<0.000000e+00> : vector<128x128xf32>
    %dot_general3A_789 = tpu.matmul %convert_element_type3A_782, %get3A_787, %dot_general3A_788 {dimension_numbers = #tpu.dot_dimension_numbers<[1], [0], [0], [1], [0, 0, 1, 1], [], []>, transpose_lhs_hint = false} : vector<128x4096xf32>, vector<4096x128xf32>, vector<128x128xf32> -> vector<128x128xf32>
    %mul3A_790 = arith.mulf %get3A_787, %get3A_787 : vector<4096x128xf32>
    %dot_general3A_791 = arith.constant dense<0.000000e+00> : vector<128x128xf32>
    %dot_general3A_792 = tpu.matmul %convert_element_type3A_782, %mul3A_790, %dot_general3A_791 {dimension_numbers = #tpu.dot_dimension_numbers<[1], [0], [0], [1], [0, 0, 1, 1], [], []>, transpose_lhs_hint = false} : vector<128x4096xf32>, vector<4096x128xf32>, vector<128x128xf32> -> vector<128x128xf32>
    %swap3A_793 = arith.constant 0 : index
    %swap3A_794 = arith.constant 0 : index
    %swap3A_795 = arith.constant 0 : index
    %swap3A_796 = vector.load %arg8[%swap3A_793, %swap3A_794, %swap3A_795] : memref<1x128x128xf32, #tpu.memory_space<vmem>>, vector<1x128x128xf32>
    %swap3A_797 = vector.shape_cast %swap3A_796 : vector<1x128x128xf32> to vector<128x128xf32>
    %swap3A_798 = vector.shape_cast %dot_general3A_789 : vector<128x128xf32> to vector<1x128x128xf32>
    tpu.vector_store %arg8[%swap3A_793, %swap3A_794, %swap3A_795], %swap3A_798 {strides = array<i32>} : memref<1x128x128xf32, #tpu.memory_space<vmem>>, vector<1x128x128xf32>,
    %swap3A_799 = arith.constant 0 : index
    %swap3A_800 = arith.constant 0 : index
    %swap3A_801 = arith.constant 0 : index
    %swap3A_802 = vector.load %arg9[%swap3A_799, %swap3A_800, %swap3A_801] : memref<1x128x8xf32, #tpu.memory_space<vmem>>, vector<1x128x8xf32>
    %swap3A_803 = vector.shape_cast %swap3A_802 : vector<1x128x8xf32> to vector<128x8xf32>
    %swap3A_804 = vector.shape_cast %add3A_765 : vector<128x8xf32> to vector<1x128x8xf32>
    tpu.vector_store %arg9[%swap3A_799, %swap3A_800, %swap3A_801], %swap3A_804 {strides = array<i32>} : memref<1x128x8xf32, #tpu.memory_space<vmem>>, vector<1x128x8xf32>,
    %mul3A_805 = arith.mulf %dot_general3A_789, %dot_general3A_789 : vector<128x128xf32>
    %mul3A_806 = arith.constant 0.0416666679 : f32
    %mul3A_807 = vector.broadcast %mul3A_806 : f32 to vector<128x128xf32>
    %mul3A_808 = arith.mulf %mul3A_805, %mul3A_807 : vector<128x128xf32>
    %sub3A_809 = arith.subf %dot_general3A_792, %mul3A_808 : vector<128x128xf32>
    %reduce_sum3A_810 = vector.shape_cast %sub3A_809 : vector<128x128xf32> to vector<1x128x128xf32>
    %reduce_sum3A_811 = arith.constant dense<0.000000e+00> : vector<1xf32>
    %reduce_sum3A_812 = vector.multi_reduction <add>, %reduce_sum3A_810, %reduce_sum3A_811 [1, 2] : vector<1x128x128xf32> to vector<1xf32>
    %reduce_sum3A_813 = vector.shape_cast %reduce_sum3A_812 : vector<1xf32> to vector<1x1x1xf32>
    %reduce_sum3A_814 = vector.extract %reduce_sum3A_813[0, 0, 0] : f32 from vector<1x1x1xf32>
    %mul3A_815 = arith.mulf %add3A_765, %add3A_765 : vector<128x8xf32>
    %mul3A_816 = arith.constant 0.0416666679 : f32
    %mul3A_817 = vector.broadcast %mul3A_816 : f32 to vector<128x8xf32>
    %mul3A_818 = arith.mulf %mul3A_815, %mul3A_817 : vector<128x8xf32>
    %sub3A_819 = arith.subf %add3A_767, %mul3A_818 : vector<128x8xf32>
    %reduce_sum3A_820 = vector.shape_cast %sub3A_819 : vector<128x8xf32> to vector<1x128x8xf32>
    %reduce_sum3A_821 = arith.constant dense<0.000000e+00> : vector<1xf32>
    %reduce_sum3A_822 = vector.multi_reduction <add>, %reduce_sum3A_820, %reduce_sum3A_821 [1, 2] : vector<1x128x8xf32> to vector<1xf32>
    %reduce_sum3A_823 = vector.shape_cast %reduce_sum3A_822 : vector<1xf32> to vector<1x1x1xf32>
    %reduce_sum3A_824 = vector.extract %reduce_sum3A_823[0, 0, 0] : f32 from vector<1x1x1xf32>
    %add3A_825 = arith.addf %reduce_sum3A_814, %reduce_sum3A_824 : f32
    %eq3A_826 = arith.constant 0 : i32
    %eq3A_827 = arith.cmpi eq, %arg1, %eq3A_826 : i32
    %convert_element_type3A_828 = arith.extui %eq3A_827 : i1 to i32
    %cond3A = arith.constant 0 : i32
    %cond3A_829 = arith.cmpi ne, %convert_element_type3A_828, %cond3A : i32
    scf.if %cond3A_829 {
      %swap3A_842 = arith.constant 0.000000e+00 : f32
      %swap3A_843 = arith.constant 0 : index
      %swap3A_844 = arith.index_cast %arg0 : i32 to index
      %swap3A_845 = memref.load %arg10[%swap3A_843, %swap3A_844] : memref<1x8xf32, #tpu.memory_space<smem>>
      memref.store %swap3A_842, %arg10[%swap3A_843, %swap3A_844] : memref<1x8xf32, #tpu.memory_space<smem>>
    } else {
    }
    %get3A_830 = arith.constant 0 : index
    %get3A_831 = arith.index_cast %arg0 : i32 to index
    %get3A_832 = memref.load %arg10[%get3A_830, %get3A_831] : memref<1x8xf32, #tpu.memory_space<smem>>
    %add3A_833 = arith.addf %get3A_832, %add3A_825 : f32
    %swap3A_834 = arith.constant 0 : index
    %swap3A_835 = arith.index_cast %arg0 : i32 to index
    %swap3A_836 = memref.load %arg10[%swap3A_834, %swap3A_835] : memref<1x8xf32, #tpu.memory_space<smem>>
    memref.store %add3A_833, %arg10[%swap3A_834, %swap3A_835] : memref<1x8xf32, #tpu.memory_space<smem>>
    %eq3A_837 = arith.constant 7 : i32
    %eq3A_838 = arith.cmpi eq, %arg1, %eq3A_837 : i32
    %convert_element_type3A_839 = arith.extui %eq3A_838 : i1 to i32
    %cond3A_840 = arith.constant 0 : i32
    %cond3A_841 = arith.cmpi ne, %convert_element_type3A_839, %cond3A_840 : i32
    scf.if %cond3A_841 {
      %get3A_842 = arith.constant 0 : index
      %get3A_843 = arith.index_cast %arg0 : i32 to index
      %get3A_844 = memref.load %arg10[%get3A_842, %get3A_843] : memref<1x8xf32, #tpu.memory_space<smem>>
      %div3A = arith.constant 0x4A447FFC : f32
      %div3A_845 = arith.divf %get3A_844, %div3A : f32
      %sqrt3A = math.sqrt %div3A_845 : f32
      %swap3A_846 = arith.constant 0 : index
      %swap3A_847 = arith.index_cast %arg0 : i32 to index
      %swap3A_848 = memref.load %arg10[%swap3A_846, %swap3A_847] : memref<1x8xf32, #tpu.memory_space<smem>>
      memref.store %sqrt3A, %arg10[%swap3A_846, %swap3A_847] : memref<1x8xf32, #tpu.memory_space<smem>>
    } else {
    }
    return
  }
  func.func @transform_0(%arg0: i32, %arg1: i32) -> (i32, i32, i32) {
    %c0_i32 = arith.constant 0 : i32
    %c0_i32_0 = arith.constant 0 : i32
    return %arg0, %arg1, %c0_i32 : i32, i32, i32
  }
  func.func @transform_1(%arg0: i32, %arg1: i32) -> (i32, i32, i32) {
    %c0_i32 = arith.constant 0 : i32
    %c0_i32_0 = arith.constant 0 : i32
    %c0_i32_1 = arith.constant 0 : i32
    return %arg0, %c0_i32, %c0_i32_0 : i32, i32, i32
  }
  func.func @transform_2(%arg0: i32, %arg1: i32) -> (i32, i32, i32) {
    %c0_i32 = arith.constant 0 : i32
    %c0_i32_0 = arith.constant 0 : i32
    %c0_i32_1 = arith.constant 0 : i32
    return %arg0, %c0_i32, %c0_i32_0 : i32, i32, i32
  }
  func.func @transform_3(%arg0: i32, %arg1: i32) -> (i32, i32, i32) {
    %c0_i32 = arith.constant 0 : i32
    %c0_i32_0 = arith.constant 0 : i32
    %c0_i32_1 = arith.constant 0 : i32
    return %arg0, %c0_i32, %c0_i32_0 : i32, i32, i32
  }
  func.func @transform_4(%arg0: i32, %arg1: i32) -> (i32, i32, i32) {
    %c0_i32 = arith.constant 0 : i32
    %c0_i32_0 = arith.constant 0 : i32
    return %arg0, %arg1, %c0_i32 : i32, i32, i32
  }
  func.func @transform_5(%arg0: i32, %arg1: i32) -> (i32, i32, i32, i32) {
    %c0_i32 = arith.constant 0 : i32
    %c0_i32_0 = arith.constant 0 : i32
    %c0_i32_1 = arith.constant 0 : i32
    return %arg0, %arg1, %c0_i32, %c0_i32_0 : i32, i32, i32, i32
  }
  func.func @transform_6(%arg0: i32, %arg1: i32) -> (i32, i32, i32) {
    %c0_i32 = arith.constant 0 : i32
    %c0_i32_0 = arith.constant 0 : i32
    return %arg0, %arg1, %c0_i32 : i32, i32, i32
  }
  func.func @transform_7(%arg0: i32, %arg1: i32) -> (i32, i32, i32) {
    %c0_i32 = arith.constant 0 : i32
    %c0_i32_0 = arith.constant 0 : i32
    return %arg0, %arg1, %c0_i32 : i32, i32, i32
  }
  func.func @transform_8(%arg0: i32, %arg1: i32) -> (i32, i32) {
    %c0_i32 = arith.constant 0 : i32
    %c0_i32_0 = arith.constant 0 : i32
    %c0_i32_1 = arith.constant 0 : i32
    return %c0_i32, %c0_i32_0 : i32, i32
  }
}

module attributes {stable_mosaic.version = 14 : i64} {
  func.func @_assemble_body(%arg0: i32, %arg1: i32, %arg2: memref<1x128x24x128xf32, #tpu.memory_space<vmem>>, %arg3: memref<1x128x24x8xf32, #tpu.memory_space<vmem>>, %arg4: memref<1x128x128xf32, #tpu.memory_space<vmem>>, %arg5: memref<1x128x8xf32, #tpu.memory_space<vmem>>, %arg6: memref<1x8xf32, #tpu.memory_space<smem>>, %arg7: memref<1x128x128xf32, #tpu.memory_space<vmem>>, %arg8: memref<16x136xf32, #tpu.memory_space<vmem>>, %arg9: memref<1x128x24x259xf32, #tpu.memory_space<vmem>>) attributes {dimension_semantics = [#tpu.dimension_semantics<arbitrary>, #tpu.dimension_semantics<arbitrary>], iteration_bounds = array<i64: 8, 8>, scalar_prefetch = 0 : i64, scratch_operands = 0 : i64, tpu.core_type = #tpu.core_type<tc>, window_params = [{transform_indices = @transform_0, window_bounds = array<i64: 1, 128, 24, 128>}, {transform_indices = @transform_1, window_bounds = array<i64: 1, 128, 24, 8>}, {transform_indices = @transform_2, window_bounds = array<i64: 1, 128, 128>}, {transform_indices = @transform_3, window_bounds = array<i64: 1, 128, 8>}, {transform_indices = @transform_4, window_bounds = array<i64: 1, 8>}, {transform_indices = @transform_5, window_bounds = array<i64: 1, 128, 128>}, {pipeline_mode = #tpu.pipeline_mode<synchronous>, transform_indices = @transform_6, window_bounds = array<i64: 16, 136>}, {transform_indices = @transform_7, window_bounds = array<i64: 1, 128, 24, 259>}]} {
    %get3A = arith.constant 0 : index
    %get3A_0 = arith.index_cast %arg0 : i32 to index
    %get3A_1 = memref.load %arg6[%get3A, %get3A_0] : memref<1x8xf32, #tpu.memory_space<smem>>
    %add3A = arith.constant 9.99999974E-6 : f32
    %add3A_2 = arith.addf %get3A_1, %add3A : f32
    %div3A = arith.constant 1.000000e+00 : f32
    %div3A_3 = arith.divf %div3A, %add3A_2 : f32
    %get3A_4 = arith.constant 0 : index
    %get3A_5 = arith.constant 0 : index
    %get3A_6 = vector.load %arg8[%get3A_4, %get3A_5] : memref<16x136xf32, #tpu.memory_space<vmem>>, vector<1x128xf32>
    %broadcast_in_dim3A = vector.shape_cast %get3A_6 : vector<1x128xf32> to vector<1x1x128xf32>
    %get3A_7 = arith.constant 8 : index
    %get3A_8 = arith.constant 0 : index
    %get3A_9 = vector.load %arg8[%get3A_7, %get3A_8] : memref<16x136xf32, #tpu.memory_space<vmem>>, vector<1x128xf32>
    %broadcast_in_dim3A_10 = vector.shape_cast %get3A_9 : vector<1x128xf32> to vector<1x1x128xf32>
    %get3A_11 = arith.constant 0 : index
    %get3A_12 = arith.constant 128 : index
    %get3A_13 = vector.load %arg8[%get3A_11, %get3A_12] : memref<16x136xf32, #tpu.memory_space<vmem>>, vector<1x8xf32>
    %broadcast_in_dim3A_14 = vector.shape_cast %get3A_13 : vector<1x8xf32> to vector<1x1x8xf32>
    %get3A_15 = arith.constant 8 : index
    %get3A_16 = arith.constant 128 : index
    %get3A_17 = vector.load %arg8[%get3A_15, %get3A_16] : memref<16x136xf32, #tpu.memory_space<vmem>>, vector<1x8xf32>
    %broadcast_in_dim3A_18 = vector.shape_cast %get3A_17 : vector<1x8xf32> to vector<1x1x8xf32>
    %mul3A = vector.broadcast %div3A_3 : f32 to vector<1x1x128xf32>
    %mul3A_19 = arith.mulf %mul3A, %broadcast_in_dim3A : vector<1x1x128xf32>
    %get3A_20 = arith.constant 0 : index
    %get3A_21 = arith.constant 0 : index
    %get3A_22 = arith.constant 0 : index
    %get3A_23 = vector.load %arg4[%get3A_20, %get3A_21, %get3A_22] : memref<1x128x128xf32, #tpu.memory_space<vmem>>, vector<1x128x128xf32>
    %get3A_24 = vector.shape_cast %get3A_23 : vector<1x128x128xf32> to vector<128x128xf32>
    %broadcast_in_dim3A_25 = vector.shape_cast %get3A_24 : vector<128x128xf32> to vector<128x1x128xf32>
    %div3A_26 = arith.constant 2.400000e+01 : f32
    %div3A_27 = vector.broadcast %div3A_26 : f32 to vector<1x1x128xf32>
    %div3A_28 = arith.divf %mul3A_19, %div3A_27 : vector<1x1x128xf32>
    %mul3A_29 = vector.broadcast %div3A_28 : vector<1x1x128xf32> to vector<128x1x128xf32>
    %mul3A_30 = arith.mulf %broadcast_in_dim3A_25, %mul3A_29 : vector<128x1x128xf32>
    %sub3A = vector.broadcast %broadcast_in_dim3A_10 : vector<1x1x128xf32> to vector<128x1x128xf32>
    %sub3A_31 = arith.subf %sub3A, %mul3A_30 : vector<128x1x128xf32>
    %mul3A_32 = vector.broadcast %div3A_3 : f32 to vector<1x1x8xf32>
    %mul3A_33 = arith.mulf %mul3A_32, %broadcast_in_dim3A_14 : vector<1x1x8xf32>
    %get3A_34 = arith.constant 0 : index
    %get3A_35 = arith.constant 0 : index
    %get3A_36 = arith.constant 0 : index
    %get3A_37 = vector.load %arg5[%get3A_34, %get3A_35, %get3A_36] : memref<1x128x8xf32, #tpu.memory_space<vmem>>, vector<1x128x8xf32>
    %get3A_38 = vector.shape_cast %get3A_37 : vector<1x128x8xf32> to vector<128x8xf32>
    %broadcast_in_dim3A_39 = vector.shape_cast %get3A_38 : vector<128x8xf32> to vector<128x1x8xf32>
    %div3A_40 = arith.constant 2.400000e+01 : f32
    %div3A_41 = vector.broadcast %div3A_40 : f32 to vector<1x1x8xf32>
    %div3A_42 = arith.divf %mul3A_33, %div3A_41 : vector<1x1x8xf32>
    %mul3A_43 = vector.broadcast %div3A_42 : vector<1x1x8xf32> to vector<128x1x8xf32>
    %mul3A_44 = arith.mulf %broadcast_in_dim3A_39, %mul3A_43 : vector<128x1x8xf32>
    %sub3A_45 = vector.broadcast %broadcast_in_dim3A_18 : vector<1x1x8xf32> to vector<128x1x8xf32>
    %sub3A_46 = arith.subf %sub3A_45, %mul3A_44 : vector<128x1x8xf32>
    %get3A_47 = arith.constant 0 : index
    %get3A_48 = arith.constant 0 : index
    %get3A_49 = arith.constant 0 : index
    %get3A_50 = arith.constant 0 : index
    %get3A_51 = vector.load %arg2[%get3A_47, %get3A_48, %get3A_49, %get3A_50] : memref<1x128x24x128xf32, #tpu.memory_space<vmem>>, vector<1x128x24x128xf32>
    %get3A_52 = vector.shape_cast %get3A_51 : vector<1x128x24x128xf32> to vector<128x24x128xf32>
    %mul3A_53 = vector.broadcast %mul3A_19 : vector<1x1x128xf32> to vector<128x24x128xf32>
    %mul3A_54 = arith.mulf %get3A_52, %mul3A_53 : vector<128x24x128xf32>
    %add3A_55 = vector.broadcast %sub3A_31 : vector<128x1x128xf32> to vector<128x24x128xf32>
    %add3A_56 = arith.addf %mul3A_54, %add3A_55 : vector<128x24x128xf32>
    %get3A_57 = arith.constant 0 : index
    %get3A_58 = arith.constant 0 : index
    %get3A_59 = arith.constant 0 : index
    %get3A_60 = arith.constant 0 : index
    %get3A_61 = vector.load %arg3[%get3A_57, %get3A_58, %get3A_59, %get3A_60] : memref<1x128x24x8xf32, #tpu.memory_space<vmem>>, vector<1x128x24x8xf32>
    %get3A_62 = vector.shape_cast %get3A_61 : vector<1x128x24x8xf32> to vector<128x24x8xf32>
    %mul3A_63 = vector.broadcast %mul3A_33 : vector<1x1x8xf32> to vector<128x24x8xf32>
    %mul3A_64 = arith.mulf %get3A_62, %mul3A_63 : vector<128x24x8xf32>
    %add3A_65 = vector.broadcast %sub3A_46 : vector<128x1x8xf32> to vector<128x24x8xf32>
    %add3A_66 = arith.addf %mul3A_64, %add3A_65 : vector<128x24x8xf32>
    %slice3A = vector.extract_strided_slice %add3A_66 {offsets = [0, 0, 0], sizes = [128, 24, 3], strides = [1, 1, 1]} : vector<128x24x8xf32> to vector<128x24x3xf32>
    %jit3A = arith.constant 0 : i32
    %convert_element_type3A = arith.sitofp %jit3A : i32 to f32
    %pad3A = vector.broadcast %convert_element_type3A : f32 to vector<128x24x128xf32>
    %pad3A_67 = tpu.concatenate %slice3A, %pad3A in 2 : vector<128x24x3xf32>, vector<128x24x128xf32> -> vector<128x24x131xf32>
    %get3A_68 = arith.constant 0 : index
    %get3A_69 = arith.constant 0 : index
    %get3A_70 = arith.constant 0 : index
    %get3A_71 = vector.load %arg7[%get3A_68, %get3A_69, %get3A_70] : memref<1x128x128xf32, #tpu.memory_space<vmem>>, vector<1x128x128xf32>
    %get3A_72 = vector.shape_cast %get3A_71 : vector<1x128x128xf32> to vector<128x128xf32>
    %broadcast_in_dim3A_73 = vector.shape_cast %get3A_72 : vector<128x128xf32> to vector<128x1x128xf32>
    %jit3A_74 = arith.constant 0 : i32
    %convert_element_type3A_75 = arith.sitofp %jit3A_74 : i32 to f32
    %pad3A_76 = vector.broadcast %convert_element_type3A_75 : f32 to vector<128x1x131xf32>
    %pad3A_77 = tpu.concatenate %pad3A_76, %broadcast_in_dim3A_73 in 2 : vector<128x1x131xf32>, vector<128x1x128xf32> -> vector<128x1x259xf32>
    %broadcast_in_dim3A_78 = vector.shape_cast %pad3A_77 : vector<128x1x259xf32> to vector<128x1x259xf32>
    %broadcast_in_dim3A_79 = vector.broadcast %broadcast_in_dim3A_78 : vector<128x1x259xf32> to vector<128x24x259xf32>
    %concatenate3A = tpu.concatenate %add3A_56, %pad3A_67 in 2 : vector<128x24x128xf32>, vector<128x24x131xf32> -> vector<128x24x259xf32>
    %add3A_80 = arith.addf %concatenate3A, %broadcast_in_dim3A_79 : vector<128x24x259xf32>
    %swap3A = arith.constant 0 : index
    %swap3A_81 = arith.constant 0 : index
    %swap3A_82 = arith.constant 0 : index
    %swap3A_83 = arith.constant 0 : index
    %swap3A_84 = vector.load %arg9[%swap3A, %swap3A_81, %swap3A_82, %swap3A_83] : memref<1x128x24x259xf32, #tpu.memory_space<vmem>>, vector<1x128x24x259xf32>
    %swap3A_85 = vector.shape_cast %swap3A_84 : vector<1x128x24x259xf32> to vector<128x24x259xf32>
    %swap3A_86 = vector.shape_cast %add3A_80 : vector<128x24x259xf32> to vector<1x128x24x259xf32>
    tpu.vector_store %arg9[%swap3A, %swap3A_81, %swap3A_82, %swap3A_83], %swap3A_86 {strides = array<i32>} : memref<1x128x24x259xf32, #tpu.memory_space<vmem>>, vector<1x128x24x259xf32>,
    return
  }
  func.func @transform_0(%arg0: i32, %arg1: i32) -> (i32, i32, i32, i32) {
    %c0_i32 = arith.constant 0 : i32
    %c0_i32_0 = arith.constant 0 : i32
    %c0_i32_1 = arith.constant 0 : i32
    return %arg0, %arg1, %c0_i32, %c0_i32_0 : i32, i32, i32, i32
  }
  func.func @transform_1(%arg0: i32, %arg1: i32) -> (i32, i32, i32, i32) {
    %c0_i32 = arith.constant 0 : i32
    %c0_i32_0 = arith.constant 0 : i32
    %c0_i32_1 = arith.constant 0 : i32
    return %arg0, %arg1, %c0_i32, %c0_i32_0 : i32, i32, i32, i32
  }
  func.func @transform_2(%arg0: i32, %arg1: i32) -> (i32, i32, i32) {
    %c0_i32 = arith.constant 0 : i32
    %c0_i32_0 = arith.constant 0 : i32
    return %arg0, %arg1, %c0_i32 : i32, i32, i32
  }
  func.func @transform_3(%arg0: i32, %arg1: i32) -> (i32, i32, i32) {
    %c0_i32 = arith.constant 0 : i32
    %c0_i32_0 = arith.constant 0 : i32
    return %arg0, %arg1, %c0_i32 : i32, i32, i32
  }
  func.func @transform_4(%arg0: i32, %arg1: i32) -> (i32, i32) {
    %c0_i32 = arith.constant 0 : i32
    %c0_i32_0 = arith.constant 0 : i32
    %c0_i32_1 = arith.constant 0 : i32
    return %c0_i32, %c0_i32_0 : i32, i32
  }
  func.func @transform_5(%arg0: i32, %arg1: i32) -> (i32, i32, i32) {
    %c0_i32 = arith.constant 0 : i32
    %c0_i32_0 = arith.constant 0 : i32
    return %arg0, %arg1, %c0_i32 : i32, i32, i32
  }
  func.func @transform_6(%arg0: i32, %arg1: i32) -> (i32, i32) {
    %c0_i32 = arith.constant 0 : i32
    %c0_i32_0 = arith.constant 0 : i32
    %c0_i32_1 = arith.constant 0 : i32
    return %c0_i32, %c0_i32_0 : i32, i32
  }
  func.func @transform_7(%arg0: i32, %arg1: i32) -> (i32, i32, i32, i32) {
    %c0_i32 = arith.constant 0 : i32
    %c0_i32_0 = arith.constant 0 : i32
    %c0_i32_1 = arith.constant 0 : i32
    return %arg0, %arg1, %c0_i32, %c0_i32_0 : i32, i32, i32, i32
  }
}

</mosaic_0001>

<sc_bundles>
// kernel: kernel.5.cloned.1.call-start
scs
__scs_entry_jumppad:
0x0: {  	(pc) =	sbr.rel $0x88, $3  }
0x1: {  	(tag) =	ssettag $0x0;
	lr =	simm.s32 $0x1  }
0x2: {  	[smem:$0x3F9B] =	sst lr;
	_ =	strace $0xD0000000  }
0x3: {  	_ = 	snop  }
0x4: {  	_ = 	snop  }
0x5: {  	_ = 	snop  }
0x6: {  	_ = 	snop  }
0x7: {  	_ = 	snop  }
__scs_overlays_trampoline_lowered:
0x8: {  	[smem:$0x3FAA] =	sst s0  }
0x9: {  	[smem:$0x3FAB] =	sst s1  }
0xa: {  	[smem:$0x3FAC] =	sst s2  }
0xb: {  	[smem:$0x3FAD] =	sst s3  }
0xc: {  	[smem:$0x3FAE] =	sst s4  }
0xd: {  	[smem:$0x3FAF] =	sst s5  }
0xe: {  	[smem:$0x3FB0] =	sst s6  }
0xf: {  	[smem:$0x3FB1] =	sst s7  }
0x10: {  	[smem:$0x3FB2] =	sst s8  }
0x11: {  	[smem:$0x3FB3] =	sst s9;
	s0 =	simm.s32 @!p0 $0x0  }
0x12: {  	s1 =	sld [smem:$0x3F99];
	s0 =	simm.s32 @p0 $0x1  }
0x13: {  	[smem:$0x3FB4] =	sst s0;
	s0 =	simm.s32 @!p1 $0x0  }
0x14: {  	s2 =	sld [smem:$0x3F98];
	s0 =	simm.s32 @p1 $0x1  }
0x15: {  	[smem:$0x3FB5] =	sst s0;
	s0 =	simm.s32 @!p2 $0x0  }
0x16: {  	s3 =	sld [smem:$0x3FDB];
	s0 =	simm.s32 @p2 $0x1  }
0x17: {  	s4 =	simm.s32 $0x1BF5;
	[smem:$0x3FB7] =	sst s0  }
0x18: {  	s0 =	sld [smem:$0x3F9A];
	_ =	swait.ge [sflag:s4], $0x0  }
0x19: {  	s7 =	sld [smem:$0x3F9B]  }
0x1a: {  	s8 =	sadd.s32 $0xFFFFE003, lr  }
0x1b: {  	s9 =	sadd.s32 $0xFFFFFEF7, lr;
	s5 =	simm.s32 $0xFFFFFFFF;
	p2 =	slt.u32 s8, $0xFFFFF086  }
0x1c: {  	p1 =	slt.u32 s9, $0xF7A;
	s5 =	simm.s32 @!p2 $0x0  }
0x1d: {  	s5 =	simm.s32 @p1 $0x1;
	p0 =	seq.s32 s7, s2  }
0x1e: {  	s7 =	smul.u32 @!p0 $0xF7A, s2;
	p2 =	seq.s32 @!p0 s5, $0x0  }
0x1f: {  	s9 =	smul.u32 $0xF7A, s1;
	s8 =	simm.s32 @!p0 $0x1BF5;
	p2 =	por !p2, p0  }
0x20: {  	[sflag:s8] =	ssyncset.s32 @!p0 $0xFFFFF086;
	s6 =	sadd.s32 @!p0 s3, s7;
	s7 =	simm.s32 @!p0 $0x108  }
0x21: {  	s3 =	sadd.s32 s3, s9;
	s6 =	sadd.s32 @!p0 $0x88, s6;
	s7 =	simm.s32 @p2 $0x1082  }
0x22: {  	[simem:s7], [sflag:s8] =	dma.local @!p0 [hbm:s6], $0xF7A  }
0x23: {  	s9 =	sor.u32 $0xD0000000, s2;
	s6 =	simm.s32 $0x108;
	_ =	swait.ge @!p0 [sflag:s8], $0x0  }
0x24: {  	s3 =	sadd.s32 $0x88, s3;
	s6 =	simm.s32 @!p1 $0x1082;
	[sflag:s4] =	ssyncset.s32 $0xFFFFF086  }
0x25: {  	[simem:s6], [sflag:s4] =	dma.local [hbm:s3], $0xF7A  }
0x26: {  	[smem:$0x3F9B] =	sst s1;
	(tag) =	ssettag s2;
	_ =	strace s9  }
0x27: {  	s1 =	sld [smem:$0x3FAB]  }
0x28: {  	s2 =	sld [smem:$0x3FAC]  }
0x29: {  	s4 =	sld [smem:$0x3FAE]  }
0x2a: {  	p0 =	seq.s32 s5, $0x0;
	s5 =	sld [smem:$0x3FAF]  }
0x2b: {  	s6 =	sld [smem:$0x3FB0]  }
0x2c: {  	s7 =	sld [smem:$0x3FB1]  }
0x2d: {  	s3 =	simm.s32 $0x108;
	s8 =	sld [smem:$0x3FB2]  }
0x2e: {  	s3 =	simm.s32 @!p0 $0x1082;
	s9 =	sld [smem:$0x3FB3]  }
0x2f: {  	lr =	sadd.s32 s0, s3;
	s0 =	sld [smem:$0x3FAA]  }
0x30: {  	s3 =	sld [smem:$0x3FAD]  }
0x31: {  	[smem:$0x3FB6] =	sst s10  }
0x32: {  	s10 =	sld [smem:$0x3FB4];
	_ =	sdelay $0x3  }
0x33: {  	p0 =	seq.s32 s10, $0x1;
	s10 =	sld [smem:$0x3FB6];
	_ =	sdelay $0x3  }
0x34: {  	[smem:$0x3FB6] =	sst s10  }
0x35: {  	s10 =	sld [smem:$0x3FB5];
	_ =	sdelay $0x3  }
0x36: {  	p1 =	seq.s32 s10, $0x1;
	s10 =	sld [smem:$0x3FB6];
	_ =	sdelay $0x3  }
0x37: {  	[smem:$0x3FB6] =	sst s10  }
0x38: {  	s10 =	sld [smem:$0x3FB7]  }
0x39: {  	_ = 	snop;
	(pc) =	sbr.ind lr, $3  }
0x3a: {  	_ = 	snop  }
0x3b: {  	_ = 	snop  }
0x3c: {  	p2 =	seq.s32 s10, $0x1;
	s10 =	sld [smem:$0x3FB6]  }
0x3d: {  	_ =	shalt  }
0x3e: {  	_ =	shalt  }
0x3f: {  	_ =	shalt  }
0x40: {  	_ =	shalt  }
0x41: {  	_ =	shalt  }
0x42: {  	_ =	shalt  }
0x43: {  	_ =	shalt  }
0x44: {  	_ =	shalt  }
0x45: {  	_ =	shalt  }
0x46: {  	_ =	shalt  }
0x47: {  	_ =	shalt  }
0x48: {  	_ =	shalt  }
0x49: {  	_ =	shalt  }
0x4a: {  	_ =	shalt  }
0x4b: {  	_ =	shalt  }
0x4c: {  	_ =	shalt  }
0x4d: {  	_ =	shalt  }
0x4e: {  	_ =	shalt  }
0x4f: {  	_ =	shalt  }
0x50: {  	_ =	shalt  }
0x51: {  	_ =	shalt  }
0x52: {  	_ =	shalt  }
0x53: {  	_ =	shalt  }
0x54: {  	_ =	shalt  }
0x55: {  	_ =	shalt  }
0x56: {  	_ =	shalt  }
0x57: {  	_ =	shalt  }
0x58: {  	_ =	shalt  }
0x59: {  	_ =	shalt  }
0x5a: {  	_ =	shalt  }
0x5b: {  	_ =	shalt  }
0x5c: {  	_ =	shalt  }
0x5d: {  	_ =	shalt  }
0x5e: {  	_ =	shalt  }
0x5f: {  	_ =	shalt  }
0x60: {  	_ =	shalt  }
0x61: {  	_ =	shalt  }
0x62: {  	_ =	shalt  }
0x63: {  	_ =	shalt  }
0x64: {  	_ =	shalt  }
0x65: {  	_ =	shalt  }
0x66: {  	_ =	shalt  }
0x67: {  	_ =	shalt  }
0x68: {  	_ =	shalt  }
0x69: {  	_ =	shalt  }
0x6a: {  	_ =	shalt  }
0x6b: {  	_ =	shalt  }
0x6c: {  	_ =	shalt  }
0x6d: {  	_ =	shalt  }
0x6e: {  	_ =	shalt  }
0x6f: {  	_ =	shalt  }
0x70: {  	_ =	shalt  }
0x71: {  	_ =	shalt  }
0x72: {  	_ =	shalt  }
0x73: {  	_ =	shalt  }
0x74: {  	_ =	shalt  }
0x75: {  	_ =	shalt  }
0x76: {  	_ =	shalt  }
0x77: {  	_ =	shalt  }
0x78: {  	_ =	shalt  }
0x79: {  	_ =	shalt  }
0x7a: {  	_ =	shalt  }
0x7b: {  	_ =	shalt  }
0x7c: {  	_ =	shalt  }
0x7d: {  	_ =	shalt  }
0x7e: {  	_ =	shalt  }
0x7f: {  	_ =	shalt  }
0x80: {  	_ =	shalt  }
0x81: {  	_ =	shalt  }
0x82: {  	_ =	shalt  }
0x83: {  	_ =	shalt  }
0x84: {  	_ =	shalt  }
0x85: {  	_ =	shalt  }
0x86: {  	_ =	shalt  }
0x87: {  	_ =	shalt  }
.Lfunc_end0:
.L_simem_size_0:
called_computation_lowered:
.L_overlay_start_0:
0x88: {  	s2 =	sld [smem:$0x3FD9]  }
0x89: {  	s3 =	sld [smem:$0x3FFE];
	_ =	sdelay $0x1  }
0x8a: {  	s1 =	srdreg.scid  }
0x8b: {  	s0 =	sand.u32 $0x1, s1  }
0x8c: {  	s17 =	sshll.u32 s0, $0xA;
	s2 =	sadd.s32 s3, s2  }
0x8d: {  	s2 =	sadd.s32 s2, s17  }
0x8e: {  	[smem:$0x3FC2] =	sst s2  }
0x8f: {  	_ = 	snop  }
0x90: {  	s2 =	sld [smem:$0x3FC8];
	(tm) =	ssettm $0x1  }
0x91: {  	s18 =	sld [smem:$0x3FFB];
	_ =	sdelay $0x3  }
0x92: {  	_ =	strace s18  }
0x93: {  	s3 =	sld [smem:$0x3FFC];
	_ =	sdelay $0x3  }
0x94: {  	_ =	strace s3  }
0x95: {  	s3 =	sld [smem:$0x3FFD];
	_ =	sdelay $0x3  }
0x96: {  	_ =	strace s3  }
0x97: {  	_ =	strace $0x8FFFFFFF  }
0x98: {  	s19 =	sld [smem:$0x3FDB];
	_ =	sdelay $0x1  }
0x99: {  	s4 =	simm.s32 $_scs_section_size  }
0x9a: {  	s5 =	simm.s32 $_size__tile_overlayer_lowered;
	s6 =	simm.s32 $_tile_overlayer_lowered  }
0x9b: {  	s22 =	simm.s32 $0x1BFF;
	s21 =	sshll.u32 s6, $0x1;
	s3 =	sadd.s32 s4, s19  }
0x9c: {  	s7 =	simm.s32 $0x0;
	s20 =	sshll.u32 s5, $0x1;
	s5 =	sadd.s32 s21, s3  }
0x9d: {  	[timem:s7], [sflag:s22] =	dma.local [hbm:s5], s20  }
0x9e: {  	_ =	swait.ge [sflag:s22], s20  }
0x9f: {  	s4 =	ssub.s32 $0x0, s20;
	[sflag:s22] =	ssyncset.done $0x0  }
0xa0: {  	[sflag:s22] =	ssyncadd.s32 s4;
	_ =	sdelay $0x1  }
0xa1: {  	s23 =	simm.s32 $0x1B8B  }
0xa2: {  	_ =	swait.ge [sflag:s23], $0x1  }
0xa3: {  	[sflag:s23] =	ssyncset.done $0x0  }
0xa4: {  	s25 =	simm.s32 $0x1B8E;
	s24 =	sld [smem:$0x3FFE];
	[sflag:s23] =	ssyncadd.s32 $0xFFFFFFFF  }
0xa5: {  	s26 =	simm.s32 $execute0_lowered;
	[smem:$0x3FD2] =	sst s25  }
0xa6: {  	s5 =	sshll.u32 s26, $0x1;
	_ =	strace $0x80000046;
	[dreg:$0x1] =	wrdreg $0xFFFFFFFF  }
0xa7: {  	s28 =	simm.s32 $_size_execute0_lowered;
	s3 =	sadd.s32 s3, s5;
	[dreg:$0x0] =	wrdreg $0x0  }
0xa8: {  	s5 =	sshll.u32 s28, $0x1;
	[dreg:$0x2] =	wrdreg s3  }
0xa9: {  	[dreg:$0x3] =	wrdreg s5  }
0xaa: {  	[dreg:$0x4] =	wrdreg $0xC0  }
0xab: {  	_ =	task [dreg:s7], $0x5FFFF  }
0xac: {  	[dreg:$0x1] =	wrdreg $0xFFFFFFFF  }
0xad: {  	[dreg:$0x0] =	wrdreg $0x60  }
0xae: {  	[dreg:$0x2] =	wrdreg s2  }
0xaf: {  	[dreg:$0x3] =	wrdreg s24  }
0xb0: {  	[dreg:$0x4] =	wrdreg $0x9  }
0xb1: {  	_ =	task.clear_ibuf [dreg:s7], $0x5FFFF;
	_ =	strace $0x90000046  }
0xb2: {  	s29 =	simm.s32 $0x9;
	_ =	strace $0x80000048  }
0xb3: {  	_ =	swait.ge [sflag:s29], $0x1  }
0xb4: {  	[sflag:s29] =	ssyncadd.s32 $0xFFFFFFFF  }
0xb5: {  	_ =	strace $0x90000048  }
0xb6: {  	_ =	sfence  }
0xb7: {  	s30 =	sld [smem:$0x0];
	_ =	sdelay $0x2  }
0xb8: {  	s31 =	sshll.u32 s1, $0xD;
	s1 =	sshrl.u32 s1, $0x2  }
0xb9: {  	s3 =	sand.u32 $0x4000, s31;
	s1 =	sadd.s32 s1, s30  }
0xba: {  	s0 =	sor.u32 s3, s0;
	s1 =	sshll.u32 s1, $0x11  }
0xbb: {  	s0 =	sor.u32 s1, s0  }
0xbc: {  	s0 =	sadd.s32 $0x8F2B, s0  }
0xbd: {  	[sflag:s0] =	ssyncadd.remote.s32 $0x1  }
0xbe: {  	_ =	sfence.sel $0xFFFF  }
0xbf: {  	[dreg:$0x0] =	wrdreg $0xFFFFFFFF;
	(pc) =	sbr.abs _section_cstart, $3  }
0xc0: {  	[dreg:$0x1] =	wrdreg $0xFFFFFFFF  }
0xc1: {  	_ =	task.clear_ibuf [dreg:s7], $0x2FFFF;
	_ =	strace $0x9FFFFFFF  }
0xc2: {  	(tm) =	ssettm $0x7FFFFFFF  }
0xc3: {  	_ =	shalt  }
tec
execute0_lowered:
.L_overlay_start_1:
0x0: {  	(tag) =	ssettag $0x1  }
0x1: {  	s2 =	rddreg [dreg:$0x0]  }
0x2: {  	s4 =	rddreg [dreg:$0x1]  }
0x3: {  	s0 =	rddreg [dreg:$0x2];
	s1 =	stileid.u32  }
0x4: {  	s5 =	srdreg.scid;
	s3 =	simm.s32 $0x0;
	s6 =	smul.u32 $0x3000, s1  }
0x5: {  	s10 =	simm.s32 $0x0;
	s5 =	sand.u32 $0x1, s5;
	s8 =	smul.u32 $0x30000, s1  }
0x6: {  	[smem:$0x7FF] =	sst s3;
	s7 =	smul.u32 $0x1800, s5;
	s9 =	ssub.s32 $0x2, s5  }
0x7: {  	_ =	strace $0x80000047;
	s5 =	smul.u32 $0x18000, s5;
	s31 =	sshrl.u32 s9, $0x1  }
0x8: {  	s8 =	sadd.s32 s8, s4;
	s6 =	sadd.s32 s7, s6;
	s7 =	ssub.s32 s9, s31  }
0x9: {  	s5 =	sadd.s32 s5, s8;
	s8 =	simm.s32 $0x200;
	s6 =	sshrl.u32 s6, $0x3  }
0xa: {  	s9 =	simm.s32 $0x1;
	s5 =	sadd.s32 $0x6E00, s5;
	s6 =	sadd.s32 s6, s4  }
0xb: {  	s4 =	smax.u32 s7, $0x1;
	s7 =	simm.s32 $0x2;
	s6 =	sadd.s32 $0xE00, s6  }
.LBB2_1:
0xc: {  	s11 =	sadd.s32 $0x0, s6  }
0xd: {  	[tilespmem:s3], [sflag:$0x2] =	stream.linear.gather [hbm4b:s11+s3], $0x200, $0x38;
	[tilespmem:$0x10200] =	vst v63  }
0xe: {  	_ =	swait.ge [sflag:s7], $0x200  }
0xf: {  	[sflag:s7] =	ssyncset.done $0x0  }
0x10: {  	[sflag:s7] =	ssyncadd.s32 $0xFFFFFE00  }
0x11: {  	[tilespmem:s8], [sflag:$0x1] =	stream.indirect.gather [hbm4b:s2+s8], $0x80, s3, s8, $0xb8;
	[tilespmem:$0x10200] =	vst v63  }
0x12: {  	_ =	swait.ge [sflag:s9], $0x10000  }
0x13: {  	[sflag:s9] =	ssyncset.done $0x0  }
0x14: {  	[sflag:s9] =	ssyncadd.s32 $0xFFFF0000  }
0x15: {  	[hbm4b:s5+s3] =	stream.linear.scatter [tilespmem:s8], [sflag:$0x2], $0x10000, $0x38;
	[tilespmem:$0x10200] =	vst v63  }
0x16: {  	s12 =	simm.s32 $0x40;
	_ =	swait.ge [sflag:s7], $0x10000  }
0x17: {  	s13 =	simm.s32 $0x80;
	s11 =	sadd.s32 $0x2000, s5;
	[sflag:s7] =	ssyncset.done $0x0  }
.LBB2_2:
0x18: {  	s14 =	sadd.s32 s12, s6  }
0x19: {  	[sflag:s7] =	ssyncadd.s32 $0xFFFF0000;
	s12 =	smov.u32 s13;
	s15 =	sadd.s32 $0x40, s13  }
0x1a: {  	[tilespmem:s3], [sflag:$0x2] =	stream.linear.gather [hbm4b:s14+s3], $0x200, $0x38;
	[tilespmem:$0x10200] =	vst v63  }
0x1b: {  	p0 =	sne.s32 s13, $0x2C0;
	_ =	swait.ge [sflag:s7], $0x200  }
0x1c: {  	[sflag:s7] =	ssyncset.done $0x0  }
0x1d: {  	[sflag:s7] =	ssyncadd.s32 $0xFFFFFE00  }
0x1e: {  	[tilespmem:s8], [sflag:$0x1] =	stream.indirect.gather [hbm4b:s2+s8], $0x80, s3, s8, $0xb8;
	[tilespmem:$0x10200] =	vst v63  }
0x1f: {  	_ =	swait.ge [sflag:s9], $0x10000  }
.Ltmp0:
0x20: {  	[sflag:s9] =	ssyncset.done $0x0;
	(pc) =	sbr.rel @p0 .LBB2_2-.Ltmp0, $4  }
0x21: {  	[sflag:s9] =	ssyncadd.s32 $0xFFFF0000  }
0x22: {  	[hbm4b:s11+s3] =	stream.linear.scatter [tilespmem:s8], [sflag:$0x2], $0x10000, $0x38;
	[tilespmem:$0x10200] =	vst v63  }
0x23: {  	_ =	swait.ge [sflag:s7], $0x10000  }
0x24: {  	s13 =	smov.u32 s15;
	s11 =	sadd.s32 $0x2000, s11;
	[sflag:s7] =	ssyncset.done $0x0  }
0x25: {  	s12 =	sadd.s32 s12, s6;
	[sflag:s7] =	ssyncadd.s32 $0xFFFF0000  }
0x26: {  	[tilespmem:s3], [sflag:$0x2] =	stream.linear.gather [hbm4b:s12+s3], $0x200, $0x38;
	[tilespmem:$0x10200] =	vst v63  }
0x27: {  	_ =	swait.ge [sflag:s7], $0x200  }
0x28: {  	[sflag:s7] =	ssyncset.done $0x0  }
0x29: {  	[sflag:s7] =	ssyncadd.s32 $0xFFFFFE00  }
0x2a: {  	[tilespmem:s8], [sflag:$0x1] =	stream.indirect.gather [hbm4b:s2+s8], $0x80, s3, s8, $0xb8;
	[tilespmem:$0x10200] =	vst v63  }
0x2b: {  	s10 =	sadd.s32 $0x1, s10;
	_ =	swait.ge [sflag:s9], $0x10000  }
0x2c: {  	p0 =	sne.s32 s10, s4;
	[sflag:s9] =	ssyncset.done $0x0  }
.Ltmp1:
0x2d: {  	[sflag:s9] =	ssyncadd.s32 $0xFFFF0000;
	(pc) =	sbr.rel @p0 .LBB2_1-.Ltmp1, $4  }
0x2e: {  	[hbm4b:s11+s3] =	stream.linear.scatter [tilespmem:s8], [sflag:$0x2], $0x10000, $0x38;
	[tilespmem:$0x10200] =	vst v63  }
0x2f: {  	_ =	swait.ge [sflag:s7], $0x10000  }
0x30: {  	[sflag:s7] =	ssyncset.done $0x0  }
0x31: {  	[sflag:s7] =	ssyncadd.s32 $0xFFFF0000  }
0x32: {  	_ =	sfence.sel $0x180000  }
0x33: {  	[bflag:$0x0] =	sbarrier.arrive $0xFFFF  }
0x34: {  	p0 =	sne.s32 s1, $0x0;
	_ =	strace $0x90000047  }
0x35: {  	s0 =	sadd.s32 @!p0 $0x100000, s0;
	[bflag:$0x2] =	sbarrier.arrive $0xFFFF  }
0x36: {  	[sflag:s0] =	ssyncadd.tile.s32 @!p0 $0x1;
	_ =	shalt  }
.Lfunc_end2:
_tile_overlayer_lowered:
.L_overlay_start_2:
0x37: {  	(tag) =	ssettag $0x2  }
0x38: {  	s0 =	rddreg [dreg:$0x0];
	s2 =	stileid.u32  }
0x39: {  	s1 =	rddreg [dreg:$0x1];
	p0 =	sne.s32 s2, $0x0  }
0x3a: {  	s3 =	rddreg [dreg:$0x2];
	[bflag:$0x3] =	sbarrier.arrive $0xFFFF;
	s2 =	simm.s32 @!p0 $0x1C02  }
0x3b: {  	[timem:s3], [sflag:s2] =	dma.local @!p0 [hbm:s0], s1  }
0x3c: {  	s0 =	simm.s32 @!p0 $0x2  }
0x3d: {  	_ =	swait.ge @!p0 [sflag:s0], s1  }
0x3e: {  	s1 =	ssub.s32 @!p0 $0x0, s1;
	[sflag:s0] =	ssyncset.done @!p0 $0x0  }
0x3f: {  	[sflag:s0] =	ssyncadd.s32 @!p0 s1  }
0x40: {  	[bflag:$0x3] =	sbarrier.arrive $0xFFFF  }
0x41: {  	_ =	shalt  }

</sc_bundles>
